<compile_context>
chip_gen: v7x
topology: tpu7x:2x2x1
jax: 0.10.2.dev20260603
libtpu: 0.0.44.dev20260713+nightly
codegen_flags: <defaults>
</compile_context>

<pallas_src>
import functools

import jax
import jax.numpy as jnp
from jax import lax
from jax.experimental import pallas as pl
from jax.experimental.pallas import tpu as pltpu
from jax.experimental.pallas import tpu_sc as plsc

_REF_LEN = 2048

_CHUNK = 128


@functools.partial(jax.jit, static_argnums=(2, 3))
def _sc_gather_rows(x2d, flat_idx, n_rows, d):
    info = plsc.get_sparse_core_info()
    nc, ns = info.num_cores, info.num_subcores
    nw = nc * ns
    per_w = n_rows // nw
    assert per_w % _CHUNK == 0
    n_ch = per_w // _CHUNK

    mesh = plsc.VectorSubcoreMesh(core_axis_name="c", subcore_axis_name="s")
    nb = 3

    @functools.partial(
        pl.kernel,
        mesh=mesh,
        out_type=jax.ShapeDtypeStruct((n_rows, d), jnp.float32),
        scratch_types=[
            pltpu.VMEM((n_ch, _CHUNK), jnp.int32),
            pltpu.VMEM((nb, _CHUNK, d), jnp.float32),
            pltpu.SemaphoreType.DMA((nb,)),
            pltpu.SemaphoreType.DMA((nb,)),
        ],
    )
    def k(x_hbm, idx_hbm, out_hbm, idx_v, rows_v, gsem, wsem):
        wid = lax.axis_index("s") * nc + lax.axis_index("c")
        base = wid * per_w
        pltpu.sync_copy(idx_hbm.at[wid], idx_v)

        def gstart(j):
            return pltpu.async_copy(
                x_hbm.at[idx_v.at[j]], rows_v.at[j % nb], gsem.at[j % nb])

        def wstart(j):
            return pltpu.async_copy(
                rows_v.at[j % nb],
                out_hbm.at[pl.ds(base + j * _CHUNK, _CHUNK)],
                wsem.at[j % nb])

        gops = [gstart(j) for j in range(min(nb, n_ch))]
        wops = [None] * n_ch
        for j in range(n_ch):
            gops[j].wait()
            wops[j] = wstart(j)
            if j + nb < n_ch:
                wops[j].wait()
                gops.append(gstart(j + nb))
        for j in range(max(0, n_ch - nb), n_ch):
            wops[j].wait()

    return k(x2d, flat_idx.reshape(nw, n_ch, _CHUNK))


def _sample_row_ids(b, l):
    base_key = jax.random.key(42)
    keys = jax.random.split(base_key, b)

    def sample_idx(k):
        perm = jax.random.permutation(k, jnp.arange(1, l))
        return jnp.sort(perm[:_REF_LEN])

    idx = jax.vmap(sample_idx)(keys)
    return (idx + jnp.arange(b, dtype=idx.dtype)[:, None] * l).reshape(-1)


def kernel(x, ref_len):
    b, l, d = x.shape
    flat_idx = _sample_row_ids(b, l) + (ref_len - _REF_LEN)
    out = _sc_gather_rows(x.reshape(b * l, d), flat_idx, b * _REF_LEN, d)
    return out.reshape(b, _REF_LEN, d)

# --- scband reference (transcript-rebuilt; emitter-appended) ---
"""Pipeline reference for scband-random-drop-17798344474844 (READ-ONLY COPY).

The authoritative reference and input builder live on the scoring server;
editing this copy changes nothing except your own understanding.
"""

import jax, jax.numpy as jnp
import numpy as np

B, L, D = 16, 4096, 256
REF_LEN = 2048

def setup_inputs(seed: int = 0) -> dict:
    key = jax.random.key(seed)
    x = jax.random.normal(key, (B, L, D), dtype=jnp.float32)
    return {"x": x, "ref_len": REF_LEN}

def reference(x, ref_len):
    # random_drop: for each batch element, pick ref_len sorted random indices
    # from [1, L) without replacement, and gather those timesteps.
    b, l, d = x.shape
    base_key = jax.random.key(42)
    keys = jax.random.split(base_key, b)
    def sample_idx(k):
        perm = jax.random.permutation(k, jnp.arange(1, l))
        return jnp.sort(perm[:REF_LEN]) + (ref_len - REF_LEN)
    idx = jax.vmap(sample_idx)(keys)  # [b, ref_len] int32
    # gather along the sequence axis (memory-bound gather)
    x_out = jnp.take_along_axis(x, idx[:, :, None], axis=1)  # [b, ref_len, d]
    return x_out

if __name__ == "__main__":
    import jax
    _d = setup_inputs()
    print(jax.jit(kernel)(*tuple(_d.values())))

</pallas_src>

<mosaic_0001>
#map = affine_map<(d0, d1) -> (0, 0)>
#map1 = affine_map<(d0, d1) -> (0, 0, 0)>
module attributes {stable_mosaic.version = 14 : i64} {
  func.func @k(%arg0: i32, %arg1: i32, %arg2: memref<65536x256xf32, #tpu.memory_space<hbm>>, %arg3: memref<32x8x128xi32, #tpu.memory_space<hbm>>, %arg4: memref<32768x256xf32, #tpu.memory_space<hbm>>, %arg5: memref<8x128xi32, #tpu.memory_space<vmem>>, %arg6: memref<3x128x256xf32, #tpu.memory_space<vmem>>, %arg7: memref<3x!tpu.dma_semaphore, #tpu.memory_space<semaphore_mem>>, %arg8: memref<3x!tpu.dma_semaphore, #tpu.memory_space<semaphore_mem>>) attributes {dimension_semantics = [#tpu.dimension_semantics<core_parallel>, #tpu.dimension_semantics<subcore_parallel>], iteration_bounds = array<i64: 2, 16>, scalar_prefetch = 0 : i64, scratch_operands = 4 : i64, tpu.core_type = #tpu.core_type<sc_vector_subcore>, window_params = [{transform_indices = #map}, {transform_indices = #map1}, {transform_indices = #map}]} {
    %mul3A = arith.constant 2 : i32
    %mul3A_0 = arith.muli %arg1, %mul3A : i32
    %add3A = arith.addi %mul3A_0, %arg0 : i32
    %mul3A_1 = arith.constant 1024 : i32
    %mul3A_2 = arith.muli %add3A, %mul3A_1 : i32
    "tpu.region"() ({
      %run_scoped3A = tpu.sem_alloc : memref<!tpu.dma_semaphore, #tpu.memory_space<semaphore_mem>>
      %dma_start3A_513 = arith.constant 0 : i32
      %dma_start3A_514 = arith.constant 0 : i32
      %dma_start3A_515 = tpu.memref_slice %arg3[%add3A, %dma_start3A_513, %dma_start3A_514] : memref<32x8x128xi32, #tpu.memory_space<hbm>> -> memref<1x8x128xi32, #tpu.memory_space<hbm>>
      %dma_start3A_516 = tpu.memref_squeeze %dma_start3A_515 : memref<1x8x128xi32, #tpu.memory_space<hbm>> -> memref<8x128xi32, #tpu.memory_space<hbm>>
      %dma_start3A_517 = arith.constant 0 : i32
      %dma_start3A_518 = arith.constant 0 : i32
      %dma_start3A_519 = tpu.memref_slice %arg3[%add3A, %dma_start3A_517, %dma_start3A_518] : memref<32x8x128xi32, #tpu.memory_space<hbm>> -> memref<1x8x128xi32, #tpu.memory_space<hbm>>
      %dma_start3A_520 = tpu.memref_squeeze %dma_start3A_519 : memref<1x8x128xi32, #tpu.memory_space<hbm>> -> memref<8x128xi32, #tpu.memory_space<hbm>>
      tpu.enqueue_dma source(%dma_start3A_520 : memref<8x128xi32, #tpu.memory_space<hbm>>) target(%arg5 : memref<8x128xi32, #tpu.memory_space<vmem>>) target_semaphore(%run_scoped3A : memref<!tpu.dma_semaphore, #tpu.memory_space<semaphore_mem>>)
      %dma_wait3A_521 = arith.constant 0 : i32
      %dma_wait3A_522 = arith.constant 0 : i32
      %dma_wait3A_523 = tpu.memref_slice %arg3[%add3A, %dma_wait3A_521, %dma_wait3A_522] : memref<32x8x128xi32, #tpu.memory_space<hbm>> -> memref<1x8x128xi32, #tpu.memory_space<hbm>>
      %dma_wait3A_524 = tpu.memref_squeeze %dma_wait3A_523 : memref<1x8x128xi32, #tpu.memory_space<hbm>> -> memref<8x128xi32, #tpu.memory_space<hbm>>
      %dma_wait3A_525 = arith.constant 0 : i32
      %dma_wait3A_526 = arith.constant 0 : i32
      %dma_wait3A_527 = tpu.memref_slice %arg3[%add3A, %dma_wait3A_525, %dma_wait3A_526] : memref<32x8x128xi32, #tpu.memory_space<hbm>> -> memref<1x8x128xi32, #tpu.memory_space<hbm>>
      %dma_wait3A_528 = tpu.memref_squeeze %dma_wait3A_527 : memref<1x8x128xi32, #tpu.memory_space<hbm>> -> memref<8x128xi32, #tpu.memory_space<hbm>>
      tpu.wait_dma2 semaphore(%run_scoped3A : memref<!tpu.dma_semaphore, #tpu.memory_space<semaphore_mem>>) src(%dma_wait3A_528 : memref<8x128xi32, #tpu.memory_space<hbm>>) dst(%arg5 : memref<8x128xi32, #tpu.memory_space<vmem>>)
      tpu.yield
    }) : () -> ()
    %dma_start3A = arith.constant 0 : i32
    %dma_start3A_3 = arith.constant 0 : i32
    %dma_start3A_4 = arith.constant 0 : i32
    %dma_start3A_5 = arith.constant 0 : i32
    %dma_start3A_6 = arith.constant 0 : i32
    %dma_start3A_7 = tpu.memref_slice %arg6[%dma_start3A_3, %dma_start3A_5, %dma_start3A_6] : memref<3x128x256xf32, #tpu.memory_space<vmem>> -> memref<1x128x256xf32, #tpu.memory_space<vmem>>
    %dma_start3A_8 = tpu.memref_squeeze %dma_start3A_7 : memref<1x128x256xf32, #tpu.memory_space<vmem>> -> memref<128x256xf32, #tpu.memory_space<vmem>>
    %dma_start3A_9 = arith.constant 0 : i32
    %dma_start3A_10 = tpu.memref_slice %arg5[%dma_start3A, %dma_start3A_9] : memref<8x128xi32, #tpu.memory_space<vmem>> -> memref<1x128xi32, #tpu.memory_space<vmem>>
    %dma_start3A_11 = tpu.memref_squeeze %dma_start3A_10 : memref<1x128xi32, #tpu.memory_space<vmem>> -> memref<128xi32, #tpu.memory_space<vmem>>
    %dma_start3A_12 = arith.constant 0 : i32
    %dma_start3A_13 = arith.constant 0 : i32
    %dma_start3A_14 = tpu.memref_slice %arg2[%dma_start3A_12, %dma_start3A_13] : memref<65536x256xf32, #tpu.memory_space<hbm>> -> memref<65536x256xf32, #tpu.memory_space<hbm>>
    %dma_start3A_15 = tpu.memref_slice %arg7[%dma_start3A_4] : memref<3x!tpu.dma_semaphore, #tpu.memory_space<semaphore_mem>> -> memref<1x!tpu.dma_semaphore, #tpu.memory_space<semaphore_mem>>
    %dma_start3A_16 = tpu.memref_squeeze %dma_start3A_15 : memref<1x!tpu.dma_semaphore, #tpu.memory_space<semaphore_mem>> -> memref<!tpu.dma_semaphore, #tpu.memory_space<semaphore_mem>>
    tpu.enqueue_indirect_dma source(%dma_start3A_14 : memref<65536x256xf32, #tpu.memory_space<hbm>>) target(%dma_start3A_8 : memref<128x256xf32, #tpu.memory_space<vmem>>) offsets(%dma_start3A_11 : memref<128xi32, #tpu.memory_space<vmem>>) semaphore(%dma_start3A_16 : memref<!tpu.dma_semaphore, #tpu.memory_space<semaphore_mem>>)
    %dma_start3A_17 = arith.constant 1 : i32
    %dma_start3A_18 = arith.constant 1 : i32
    %dma_start3A_19 = arith.constant 1 : i32
    %dma_start3A_20 = arith.constant 0 : i32
    %dma_start3A_21 = arith.constant 0 : i32
    %dma_start3A_22 = tpu.memref_slice %arg6[%dma_start3A_18, %dma_start3A_20, %dma_start3A_21] : memref<3x128x256xf32, #tpu.memory_space<vmem>> -> memref<1x128x256xf32, #tpu.memory_space<vmem>>
    %dma_start3A_23 = tpu.memref_squeeze %dma_start3A_22 : memref<1x128x256xf32, #tpu.memory_space<vmem>> -> memref<128x256xf32, #tpu.memory_space<vmem>>
    %dma_start3A_24 = arith.constant 0 : i32
    %dma_start3A_25 = tpu.memref_slice %arg5[%dma_start3A_17, %dma_start3A_24] : memref<8x128xi32, #tpu.memory_space<vmem>> -> memref<1x128xi32, #tpu.memory_space<vmem>>
    %dma_start3A_26 = tpu.memref_squeeze %dma_start3A_25 : memref<1x128xi32, #tpu.memory_space<vmem>> -> memref<128xi32, #tpu.memory_space<vmem>>
    %dma_start3A_27 = arith.constant 0 : i32
    %dma_start3A_28 = arith.constant 0 : i32
    %dma_start3A_29 = tpu.memref_slice %arg2[%dma_start3A_27, %dma_start3A_28] : memref<65536x256xf32, #tpu.memory_space<hbm>> -> memref<65536x256xf32, #tpu.memory_space<hbm>>
    %dma_start3A_30 = tpu.memref_slice %arg7[%dma_start3A_19] : memref<3x!tpu.dma_semaphore, #tpu.memory_space<semaphore_mem>> -> memref<1x!tpu.dma_semaphore, #tpu.memory_space<semaphore_mem>>
    %dma_start3A_31 = tpu.memref_squeeze %dma_start3A_30 : memref<1x!tpu.dma_semaphore, #tpu.memory_space<semaphore_mem>> -> memref<!tpu.dma_semaphore, #tpu.memory_space<semaphore_mem>>
    tpu.enqueue_indirect_dma source(%dma_start3A_29 : memref<65536x256xf32, #tpu.memory_space<hbm>>) target(%dma_start3A_23 : memref<128x256xf32, #tpu.memory_space<vmem>>) offsets(%dma_start3A_26 : memref<128xi32, #tpu.memory_space<vmem>>) semaphore(%dma_start3A_31 : memref<!tpu.dma_semaphore, #tpu.memory_space<semaphore_mem>>)
    %dma_start3A_32 = arith.constant 2 : i32
    %dma_start3A_33 = arith.constant 2 : i32
    %dma_start3A_34 = arith.constant 2 : i32
    %dma_start3A_35 = arith.constant 0 : i32
    %dma_start3A_36 = arith.constant 0 : i32
    %dma_start3A_37 = tpu.memref_slice %arg6[%dma_start3A_33, %dma_start3A_35, %dma_start3A_36] : memref<3x128x256xf32, #tpu.memory_space<vmem>> -> memref<1x128x256xf32, #tpu.memory_space<vmem>>
    %dma_start3A_38 = tpu.memref_squeeze %dma_start3A_37 : memref<1x128x256xf32, #tpu.memory_space<vmem>> -> memref<128x256xf32, #tpu.memory_space<vmem>>
    %dma_start3A_39 = arith.constant 0 : i32
    %dma_start3A_40 = tpu.memref_slice %arg5[%dma_start3A_32, %dma_start3A_39] : memref<8x128xi32, #tpu.memory_space<vmem>> -> memref<1x128xi32, #tpu.memory_space<vmem>>
    %dma_start3A_41 = tpu.memref_squeeze %dma_start3A_40 : memref<1x128xi32, #tpu.memory_space<vmem>> -> memref<128xi32, #tpu.memory_space<vmem>>
    %dma_start3A_42 = arith.constant 0 : i32
    %dma_start3A_43 = arith.constant 0 : i32
    %dma_start3A_44 = tpu.memref_slice %arg2[%dma_start3A_42, %dma_start3A_43] : memref<65536x256xf32, #tpu.memory_space<hbm>> -> memref<65536x256xf32, #tpu.memory_space<hbm>>
    %dma_start3A_45 = tpu.memref_slice %arg7[%dma_start3A_34] : memref<3x!tpu.dma_semaphore, #tpu.memory_space<semaphore_mem>> -> memref<1x!tpu.dma_semaphore, #tpu.memory_space<semaphore_mem>>
    %dma_start3A_46 = tpu.memref_squeeze %dma_start3A_45 : memref<1x!tpu.dma_semaphore, #tpu.memory_space<semaphore_mem>> -> memref<!tpu.dma_semaphore, #tpu.memory_space<semaphore_mem>>
    tpu.enqueue_indirect_dma source(%dma_start3A_44 : memref<65536x256xf32, #tpu.memory_space<hbm>>) target(%dma_start3A_38 : memref<128x256xf32, #tpu.memory_space<vmem>>) offsets(%dma_start3A_41 : memref<128xi32, #tpu.memory_space<vmem>>) semaphore(%dma_start3A_46 : memref<!tpu.dma_semaphore, #tpu.memory_space<semaphore_mem>>)
    %dma_wait3A = arith.constant 0 : i32
    %dma_wait3A_47 = arith.constant 0 : i32
    %dma_wait3A_48 = arith.constant 0 : i32
    %dma_wait3A_49 = arith.constant 0 : i32
    %dma_wait3A_50 = arith.constant 0 : i32
    %dma_wait3A_51 = tpu.memref_slice %arg6[%dma_wait3A_47, %dma_wait3A_49, %dma_wait3A_50] : memref<3x128x256xf32, #tpu.memory_space<vmem>> -> memref<1x128x256xf32, #tpu.memory_space<vmem>>
    %dma_wait3A_52 = tpu.memref_squeeze %dma_wait3A_51 : memref<1x128x256xf32, #tpu.memory_space<vmem>> -> memref<128x256xf32, #tpu.memory_space<vmem>>
    %dma_wait3A_53 = arith.constant 0 : i32
    %dma_wait3A_54 = tpu.memref_slice %arg5[%dma_wait3A, %dma_wait3A_53] : memref<8x128xi32, #tpu.memory_space<vmem>> -> memref<1x128xi32, #tpu.memory_space<vmem>>
    %dma_wait3A_55 = tpu.memref_squeeze %dma_wait3A_54 : memref<1x128xi32, #tpu.memory_space<vmem>> -> memref<128xi32, #tpu.memory_space<vmem>>
    %dma_wait3A_56 = arith.constant 0 : i32
    %dma_wait3A_57 = arith.constant 0 : i32
    %dma_wait3A_58 = tpu.memref_slice %arg2[%dma_wait3A_56, %dma_wait3A_57] : memref<65536x256xf32, #tpu.memory_space<hbm>> -> memref<65536x256xf32, #tpu.memory_space<hbm>>
    %dma_wait3A_59 = tpu.memref_slice %arg7[%dma_wait3A_48] : memref<3x!tpu.dma_semaphore, #tpu.memory_space<semaphore_mem>> -> memref<1x!tpu.dma_semaphore, #tpu.memory_space<semaphore_mem>>
    %dma_wait3A_60 = tpu.memref_squeeze %dma_wait3A_59 : memref<1x!tpu.dma_semaphore, #tpu.memory_space<semaphore_mem>> -> memref<!tpu.dma_semaphore, #tpu.memory_space<semaphore_mem>>
    tpu.wait_indirect_dma semaphore(%dma_wait3A_60 : memref<!tpu.dma_semaphore, #tpu.memory_space<semaphore_mem>>) src(%dma_wait3A_58 : memref<65536x256xf32, #tpu.memory_space<hbm>>) dst(%dma_wait3A_52 : memref<128x256xf32, #tpu.memory_space<vmem>>)
    %add3A_61 = arith.constant 0 : i32
    %add3A_62 = arith.addi %mul3A_2, %add3A_61 : i32
    %dma_start3A_63 = arith.constant 0 : i32
    %dma_start3A_64 = arith.constant 0 : i32
    %dma_start3A_65 = arith.constant 0 : i32
    %dma_start3A_66 = arith.constant 0 : i32
    %dma_start3A_67 = tpu.memref_slice %arg6[%dma_start3A_63, %dma_start3A_65, %dma_start3A_66] : memref<3x128x256xf32, #tpu.memory_space<vmem>> -> memref<1x128x256xf32, #tpu.memory_space<vmem>>
    %dma_start3A_68 = tpu.memref_squeeze %dma_start3A_67 : memref<1x128x256xf32, #tpu.memory_space<vmem>> -> memref<128x256xf32, #tpu.memory_space<vmem>>
    %dma_start3A_69 = arith.constant 0 : i32
    %dma_start3A_70 = tpu.memref_slice %arg4[%add3A_62, %dma_start3A_69] : memref<32768x256xf32, #tpu.memory_space<hbm>> -> memref<128x256xf32, #tpu.memory_space<hbm>>
    %dma_start3A_71 = tpu.memref_slice %arg8[%dma_start3A_64] : memref<3x!tpu.dma_semaphore, #tpu.memory_space<semaphore_mem>> -> memref<1x!tpu.dma_semaphore, #tpu.memory_space<semaphore_mem>>
    %dma_start3A_72 = tpu.memref_squeeze %dma_start3A_71 : memref<1x!tpu.dma_semaphore, #tpu.memory_space<semaphore_mem>> -> memref<!tpu.dma_semaphore, #tpu.memory_space<semaphore_mem>>
    %dma_start3A_73 = arith.constant 0 : i32
    %dma_start3A_74 = tpu.memref_slice %arg4[%add3A_62, %dma_start3A_73] : memref<32768x256xf32, #tpu.memory_space<hbm>> -> memref<128x256xf32, #tpu.memory_space<hbm>>
    %dma_start3A_75 = arith.constant 0 : i32
    %dma_start3A_76 = arith.constant 0 : i32
    %dma_start3A_77 = tpu.memref_slice %arg6[%dma_start3A_63, %dma_start3A_75, %dma_start3A_76] : memref<3x128x256xf32, #tpu.memory_space<vmem>> -> memref<1x128x256xf32, #tpu.memory_space<vmem>>
    %dma_start3A_78 = tpu.memref_squeeze %dma_start3A_77 : memref<1x128x256xf32, #tpu.memory_space<vmem>> -> memref<128x256xf32, #tpu.memory_space<vmem>>
    tpu.enqueue_dma source(%dma_start3A_78 : memref<128x256xf32, #tpu.memory_space<vmem>>) target(%dma_start3A_74 : memref<128x256xf32, #tpu.memory_space<hbm>>) target_semaphore(%dma_start3A_72 : memref<!tpu.dma_semaphore, #tpu.memory_space<semaphore_mem>>)
    %dma_wait3A_79 = arith.constant 0 : i32
    %dma_wait3A_80 = arith.constant 0 : i32
    %dma_wait3A_81 = arith.constant 0 : i32
    %dma_wait3A_82 = arith.constant 0 : i32
    %dma_wait3A_83 = tpu.memref_slice %arg6[%dma_wait3A_79, %dma_wait3A_81, %dma_wait3A_82] : memref<3x128x256xf32, #tpu.memory_space<vmem>> -> memref<1x128x256xf32, #tpu.memory_space<vmem>>
    %dma_wait3A_84 = tpu.memref_squeeze %dma_wait3A_83 : memref<1x128x256xf32, #tpu.memory_space<vmem>> -> memref<128x256xf32, #tpu.memory_space<vmem>>
    %dma_wait3A_85 = arith.constant 0 : i32
    %dma_wait3A_86 = tpu.memref_slice %arg4[%add3A_62, %dma_wait3A_85] : memref<32768x256xf32, #tpu.memory_space<hbm>> -> memref<128x256xf32, #tpu.memory_space<hbm>>
    %dma_wait3A_87 = tpu.memref_slice %arg8[%dma_wait3A_80] : memref<3x!tpu.dma_semaphore, #tpu.memory_space<semaphore_mem>> -> memref<1x!tpu.dma_semaphore, #tpu.memory_space<semaphore_mem>>
    %dma_wait3A_88 = tpu.memref_squeeze %dma_wait3A_87 : memref<1x!tpu.dma_semaphore, #tpu.memory_space<semaphore_mem>> -> memref<!tpu.dma_semaphore, #tpu.memory_space<semaphore_mem>>
    %dma_wait3A_89 = arith.constant 0 : i32
    %dma_wait3A_90 = tpu.memref_slice %arg4[%add3A_62, %dma_wait3A_89] : memref<32768x256xf32, #tpu.memory_space<hbm>> -> memref<128x256xf32, #tpu.memory_space<hbm>>
    %dma_wait3A_91 = arith.constant 0 : i32
    %dma_wait3A_92 = arith.constant 0 : i32
    %dma_wait3A_93 = tpu.memref_slice %arg6[%dma_wait3A_79, %dma_wait3A_91, %dma_wait3A_92] : memref<3x128x256xf32, #tpu.memory_space<vmem>> -> memref<1x128x256xf32, #tpu.memory_space<vmem>>
    %dma_wait3A_94 = tpu.memref_squeeze %dma_wait3A_93 : memref<1x128x256xf32, #tpu.memory_space<vmem>> -> memref<128x256xf32, #tpu.memory_space<vmem>>
    tpu.wait_dma2 semaphore(%dma_wait3A_88 : memref<!tpu.dma_semaphore, #tpu.memory_space<semaphore_mem>>) src(%dma_wait3A_94 : memref<128x256xf32, #tpu.memory_space<vmem>>) dst(%dma_wait3A_90 : memref<128x256xf32, #tpu.memory_space<hbm>>)
    %dma_start3A_95 = arith.constant 3 : i32
    %dma_start3A_96 = arith.constant 0 : i32
    %dma_start3A_97 = arith.constant 0 : i32
    %dma_start3A_98 = arith.constant 0 : i32
    %dma_start3A_99 = arith.constant 0 : i32
    %dma_start3A_100 = tpu.memref_slice %arg6[%dma_start3A_96, %dma_start3A_98, %dma_start3A_99] : memref<3x128x256xf32, #tpu.memory_space<vmem>> -> memref<1x128x256xf32, #tpu.memory_space<vmem>>
    %dma_start3A_101 = tpu.memref_squeeze %dma_start3A_100 : memref<1x128x256xf32, #tpu.memory_space<vmem>> -> memref<128x256xf32, #tpu.memory_space<vmem>>
    %dma_start3A_102 = arith.constant 0 : i32
    %dma_start3A_103 = tpu.memref_slice %arg5[%dma_start3A_95, %dma_start3A_102] : memref<8x128xi32, #tpu.memory_space<vmem>> -> memref<1x128xi32, #tpu.memory_space<vmem>>
    %dma_start3A_104 = tpu.memref_squeeze %dma_start3A_103 : memref<1x128xi32, #tpu.memory_space<vmem>> -> memref<128xi32, #tpu.memory_space<vmem>>
    %dma_start3A_105 = arith.constant 0 : i32
    %dma_start3A_106 = arith.constant 0 : i32
    %dma_start3A_107 = tpu.memref_slice %arg2[%dma_start3A_105, %dma_start3A_106] : memref<65536x256xf32, #tpu.memory_space<hbm>> -> memref<65536x256xf32, #tpu.memory_space<hbm>>
    %dma_start3A_108 = tpu.memref_slice %arg7[%dma_start3A_97] : memref<3x!tpu.dma_semaphore, #tpu.memory_space<semaphore_mem>> -> memref<1x!tpu.dma_semaphore, #tpu.memory_space<semaphore_mem>>
    %dma_start3A_109 = tpu.memref_squeeze %dma_start3A_108 : memref<1x!tpu.dma_semaphore, #tpu.memory_space<semaphore_mem>> -> memref<!tpu.dma_semaphore, #tpu.memory_space<semaphore_mem>>
    tpu.enqueue_indirect_dma source(%dma_start3A_107 : memref<65536x256xf32, #tpu.memory_space<hbm>>) target(%dma_start3A_101 : memref<128x256xf32, #tpu.memory_space<vmem>>) offsets(%dma_start3A_104 : memref<128xi32, #tpu.memory_space<vmem>>) semaphore(%dma_start3A_109 : memref<!tpu.dma_semaphore, #tpu.memory_space<semaphore_mem>>)
    %dma_wait3A_110 = arith.constant 1 : i32
    %dma_wait3A_111 = arith.constant 1 : i32
    %dma_wait3A_112 = arith.constant 1 : i32
    %dma_wait3A_113 = arith.constant 0 : i32
    %dma_wait3A_114 = arith.constant 0 : i32
    %dma_wait3A_115 = tpu.memref_slice %arg6[%dma_wait3A_111, %dma_wait3A_113, %dma_wait3A_114] : memref<3x128x256xf32, #tpu.memory_space<vmem>> -> memref<1x128x256xf32, #tpu.memory_space<vmem>>
    %dma_wait3A_116 = tpu.memref_squeeze %dma_wait3A_115 : memref<1x128x256xf32, #tpu.memory_space<vmem>> -> memref<128x256xf32, #tpu.memory_space<vmem>>
    %dma_wait3A_117 = arith.constant 0 : i32
    %dma_wait3A_118 = tpu.memref_slice %arg5[%dma_wait3A_110, %dma_wait3A_117] : memref<8x128xi32, #tpu.memory_space<vmem>> -> memref<1x128xi32, #tpu.memory_space<vmem>>
    %dma_wait3A_119 = tpu.memref_squeeze %dma_wait3A_118 : memref<1x128xi32, #tpu.memory_space<vmem>> -> memref<128xi32, #tpu.memory_space<vmem>>
    %dma_wait3A_120 = arith.constant 0 : i32
    %dma_wait3A_121 = arith.constant 0 : i32
    %dma_wait3A_122 = tpu.memref_slice %arg2[%dma_wait3A_120, %dma_wait3A_121] : memref<65536x256xf32, #tpu.memory_space<hbm>> -> memref<65536x256xf32, #tpu.memory_space<hbm>>
    %dma_wait3A_123 = tpu.memref_slice %arg7[%dma_wait3A_112] : memref<3x!tpu.dma_semaphore, #tpu.memory_space<semaphore_mem>> -> memref<1x!tpu.dma_semaphore, #tpu.memory_space<semaphore_mem>>
    %dma_wait3A_124 = tpu.memref_squeeze %dma_wait3A_123 : memref<1x!tpu.dma_semaphore, #tpu.memory_space<semaphore_mem>> -> memref<!tpu.dma_semaphore, #tpu.memory_space<semaphore_mem>>
    tpu.wait_indirect_dma semaphore(%dma_wait3A_124 : memref<!tpu.dma_semaphore, #tpu.memory_space<semaphore_mem>>) src(%dma_wait3A_122 : memref<65536x256xf32, #tpu.memory_space<hbm>>) dst(%dma_wait3A_116 : memref<128x256xf32, #tpu.memory_space<vmem>>)
    %add3A_125 = arith.constant 128 : i32
    %add3A_126 = arith.addi %mul3A_2, %add3A_125 : i32
    %dma_start3A_127 = arith.constant 1 : i32
    %dma_start3A_128 = arith.constant 1 : i32
    %dma_start3A_129 = arith.constant 0 : i32
    %dma_start3A_130 = arith.constant 0 : i32
    %dma_start3A_131 = tpu.memref_slice %arg6[%dma_start3A_127, %dma_start3A_129, %dma_start3A_130] : memref<3x128x256xf32, #tpu.memory_space<vmem>> -> memref<1x128x256xf32, #tpu.memory_space<vmem>>
    %dma_start3A_132 = tpu.memref_squeeze %dma_start3A_131 : memref<1x128x256xf32, #tpu.memory_space<vmem>> -> memref<128x256xf32, #tpu.memory_space<vmem>>
    %dma_start3A_133 = arith.constant 0 : i32
    %dma_start3A_134 = tpu.memref_slice %arg4[%add3A_126, %dma_start3A_133] : memref<32768x256xf32, #tpu.memory_space<hbm>> -> memref<128x256xf32, #tpu.memory_space<hbm>>
    %dma_start3A_135 = tpu.memref_slice %arg8[%dma_start3A_128] : memref<3x!tpu.dma_semaphore, #tpu.memory_space<semaphore_mem>> -> memref<1x!tpu.dma_semaphore, #tpu.memory_space<semaphore_mem>>
    %dma_start3A_136 = tpu.memref_squeeze %dma_start3A_135 : memref<1x!tpu.dma_semaphore, #tpu.memory_space<semaphore_mem>> -> memref<!tpu.dma_semaphore, #tpu.memory_space<semaphore_mem>>
    %dma_start3A_137 = arith.constant 0 : i32
    %dma_start3A_138 = tpu.memref_slice %arg4[%add3A_126, %dma_start3A_137] : memref<32768x256xf32, #tpu.memory_space<hbm>> -> memref<128x256xf32, #tpu.memory_space<hbm>>
    %dma_start3A_139 = arith.constant 0 : i32
    %dma_start3A_140 = arith.constant 0 : i32
    %dma_start3A_141 = tpu.memref_slice %arg6[%dma_start3A_127, %dma_start3A_139, %dma_start3A_140] : memref<3x128x256xf32, #tpu.memory_space<vmem>> -> memref<1x128x256xf32, #tpu.memory_space<vmem>>
    %dma_start3A_142 = tpu.memref_squeeze %dma_start3A_141 : memref<1x128x256xf32, #tpu.memory_space<vmem>> -> memref<128x256xf32, #tpu.memory_space<vmem>>
    tpu.enqueue_dma source(%dma_start3A_142 : memref<128x256xf32, #tpu.memory_space<vmem>>) target(%dma_start3A_138 : memref<128x256xf32, #tpu.memory_space<hbm>>) target_semaphore(%dma_start3A_136 : memref<!tpu.dma_semaphore, #tpu.memory_space<semaphore_mem>>)
    %dma_wait3A_143 = arith.constant 1 : i32
    %dma_wait3A_144 = arith.constant 1 : i32
    %dma_wait3A_145 = arith.constant 0 : i32
    %dma_wait3A_146 = arith.constant 0 : i32
    %dma_wait3A_147 = tpu.memref_slice %arg6[%dma_wait3A_143, %dma_wait3A_145, %dma_wait3A_146] : memref<3x128x256xf32, #tpu.memory_space<vmem>> -> memref<1x128x256xf32, #tpu.memory_space<vmem>>
    %dma_wait3A_148 = tpu.memref_squeeze %dma_wait3A_147 : memref<1x128x256xf32, #tpu.memory_space<vmem>> -> memref<128x256xf32, #tpu.memory_space<vmem>>
    %dma_wait3A_149 = arith.constant 0 : i32
    %dma_wait3A_150 = tpu.memref_slice %arg4[%add3A_126, %dma_wait3A_149] : memref<32768x256xf32, #tpu.memory_space<hbm>> -> memref<128x256xf32, #tpu.memory_space<hbm>>
    %dma_wait3A_151 = tpu.memref_slice %arg8[%dma_wait3A_144] : memref<3x!tpu.dma_semaphore, #tpu.memory_space<semaphore_mem>> -> memref<1x!tpu.dma_semaphore, #tpu.memory_space<semaphore_mem>>
    %dma_wait3A_152 = tpu.memref_squeeze %dma_wait3A_151 : memref<1x!tpu.dma_semaphore, #tpu.memory_space<semaphore_mem>> -> memref<!tpu.dma_semaphore, #tpu.memory_space<semaphore_mem>>
    %dma_wait3A_153 = arith.constant 0 : i32
    %dma_wait3A_154 = tpu.memref_slice %arg4[%add3A_126, %dma_wait3A_153] : memref<32768x256xf32, #tpu.memory_space<hbm>> -> memref<128x256xf32, #tpu.memory_space<hbm>>
    %dma_wait3A_155 = arith.constant 0 : i32
    %dma_wait3A_156 = arith.constant 0 : i32
    %dma_wait3A_157 = tpu.memref_slice %arg6[%dma_wait3A_143, %dma_wait3A_155, %dma_wait3A_156] : memref<3x128x256xf32, #tpu.memory_space<vmem>> -> memref<1x128x256xf32, #tpu.memory_space<vmem>>
    %dma_wait3A_158 = tpu.memref_squeeze %dma_wait3A_157 : memref<1x128x256xf32, #tpu.memory_space<vmem>> -> memref<128x256xf32, #tpu.memory_space<vmem>>
    tpu.wait_dma2 semaphore(%dma_wait3A_152 : memref<!tpu.dma_semaphore, #tpu.memory_space<semaphore_mem>>) src(%dma_wait3A_158 : memref<128x256xf32, #tpu.memory_space<vmem>>) dst(%dma_wait3A_154 : memref<128x256xf32, #tpu.memory_space<hbm>>)
    %dma_start3A_159 = arith.constant 4 : i32
    %dma_start3A_160 = arith.constant 1 : i32
    %dma_start3A_161 = arith.constant 1 : i32
    %dma_start3A_162 = arith.constant 0 : i32
    %dma_start3A_163 = arith.constant 0 : i32
    %dma_start3A_164 = tpu.memref_slice %arg6[%dma_start3A_160, %dma_start3A_162, %dma_start3A_163] : memref<3x128x256xf32, #tpu.memory_space<vmem>> -> memref<1x128x256xf32, #tpu.memory_space<vmem>>
    %dma_start3A_165 = tpu.memref_squeeze %dma_start3A_164 : memref<1x128x256xf32, #tpu.memory_space<vmem>> -> memref<128x256xf32, #tpu.memory_space<vmem>>
    %dma_start3A_166 = arith.constant 0 : i32
    %dma_start3A_167 = tpu.memref_slice %arg5[%dma_start3A_159, %dma_start3A_166] : memref<8x128xi32, #tpu.memory_space<vmem>> -> memref<1x128xi32, #tpu.memory_space<vmem>>
    %dma_start3A_168 = tpu.memref_squeeze %dma_start3A_167 : memref<1x128xi32, #tpu.memory_space<vmem>> -> memref<128xi32, #tpu.memory_space<vmem>>
    %dma_start3A_169 = arith.constant 0 : i32
    %dma_start3A_170 = arith.constant 0 : i32
    %dma_start3A_171 = tpu.memref_slice %arg2[%dma_start3A_169, %dma_start3A_170] : memref<65536x256xf32, #tpu.memory_space<hbm>> -> memref<65536x256xf32, #tpu.memory_space<hbm>>
    %dma_start3A_172 = tpu.memref_slice %arg7[%dma_start3A_161] : memref<3x!tpu.dma_semaphore, #tpu.memory_space<semaphore_mem>> -> memref<1x!tpu.dma_semaphore, #tpu.memory_space<semaphore_mem>>
    %dma_start3A_173 = tpu.memref_squeeze %dma_start3A_172 : memref<1x!tpu.dma_semaphore, #tpu.memory_space<semaphore_mem>> -> memref<!tpu.dma_semaphore, #tpu.memory_space<semaphore_mem>>
    tpu.enqueue_indirect_dma source(%dma_start3A_171 : memref<65536x256xf32, #tpu.memory_space<hbm>>) target(%dma_start3A_165 : memref<128x256xf32, #tpu.memory_space<vmem>>) offsets(%dma_start3A_168 : memref<128xi32, #tpu.memory_space<vmem>>) semaphore(%dma_start3A_173 : memref<!tpu.dma_semaphore, #tpu.memory_space<semaphore_mem>>)
    %dma_wait3A_174 = arith.constant 2 : i32
    %dma_wait3A_175 = arith.constant 2 : i32
    %dma_wait3A_176 = arith.constant 2 : i32
    %dma_wait3A_177 = arith.constant 0 : i32
    %dma_wait3A_178 = arith.constant 0 : i32
    %dma_wait3A_179 = tpu.memref_slice %arg6[%dma_wait3A_175, %dma_wait3A_177, %dma_wait3A_178] : memref<3x128x256xf32, #tpu.memory_space<vmem>> -> memref<1x128x256xf32, #tpu.memory_space<vmem>>
    %dma_wait3A_180 = tpu.memref_squeeze %dma_wait3A_179 : memref<1x128x256xf32, #tpu.memory_space<vmem>> -> memref<128x256xf32, #tpu.memory_space<vmem>>
    %dma_wait3A_181 = arith.constant 0 : i32
    %dma_wait3A_182 = tpu.memref_slice %arg5[%dma_wait3A_174, %dma_wait3A_181] : memref<8x128xi32, #tpu.memory_space<vmem>> -> memref<1x128xi32, #tpu.memory_space<vmem>>
    %dma_wait3A_183 = tpu.memref_squeeze %dma_wait3A_182 : memref<1x128xi32, #tpu.memory_space<vmem>> -> memref<128xi32, #tpu.memory_space<vmem>>
    %dma_wait3A_184 = arith.constant 0 : i32
    %dma_wait3A_185 = arith.constant 0 : i32
    %dma_wait3A_186 = tpu.memref_slice %arg2[%dma_wait3A_184, %dma_wait3A_185] : memref<65536x256xf32, #tpu.memory_space<hbm>> -> memref<65536x256xf32, #tpu.memory_space<hbm>>
    %dma_wait3A_187 = tpu.memref_slice %arg7[%dma_wait3A_176] : memref<3x!tpu.dma_semaphore, #tpu.memory_space<semaphore_mem>> -> memref<1x!tpu.dma_semaphore, #tpu.memory_space<semaphore_mem>>
    %dma_wait3A_188 = tpu.memref_squeeze %dma_wait3A_187 : memref<1x!tpu.dma_semaphore, #tpu.memory_space<semaphore_mem>> -> memref<!tpu.dma_semaphore, #tpu.memory_space<semaphore_mem>>
    tpu.wait_indirect_dma semaphore(%dma_wait3A_188 : memref<!tpu.dma_semaphore, #tpu.memory_space<semaphore_mem>>) src(%dma_wait3A_186 : memref<65536x256xf32, #tpu.memory_space<hbm>>) dst(%dma_wait3A_180 : memref<128x256xf32, #tpu.memory_space<vmem>>)
    %add3A_189 = arith.constant 256 : i32
    %add3A_190 = arith.addi %mul3A_2, %add3A_189 : i32
    %dma_start3A_191 = arith.constant 2 : i32
    %dma_start3A_192 = arith.constant 2 : i32
    %dma_start3A_193 = arith.constant 0 : i32
    %dma_start3A_194 = arith.constant 0 : i32
    %dma_start3A_195 = tpu.memref_slice %arg6[%dma_start3A_191, %dma_start3A_193, %dma_start3A_194] : memref<3x128x256xf32, #tpu.memory_space<vmem>> -> memref<1x128x256xf32, #tpu.memory_space<vmem>>
    %dma_start3A_196 = tpu.memref_squeeze %dma_start3A_195 : memref<1x128x256xf32, #tpu.memory_space<vmem>> -> memref<128x256xf32, #tpu.memory_space<vmem>>
    %dma_start3A_197 = arith.constant 0 : i32
    %dma_start3A_198 = tpu.memref_slice %arg4[%add3A_190, %dma_start3A_197] : memref<32768x256xf32, #tpu.memory_space<hbm>> -> memref<128x256xf32, #tpu.memory_space<hbm>>
    %dma_start3A_199 = tpu.memref_slice %arg8[%dma_start3A_192] : memref<3x!tpu.dma_semaphore, #tpu.memory_space<semaphore_mem>> -> memref<1x!tpu.dma_semaphore, #tpu.memory_space<semaphore_mem>>
    %dma_start3A_200 = tpu.memref_squeeze %dma_start3A_199 : memref<1x!tpu.dma_semaphore, #tpu.memory_space<semaphore_mem>> -> memref<!tpu.dma_semaphore, #tpu.memory_space<semaphore_mem>>
    %dma_start3A_201 = arith.constant 0 : i32
    %dma_start3A_202 = tpu.memref_slice %arg4[%add3A_190, %dma_start3A_201] : memref<32768x256xf32, #tpu.memory_space<hbm>> -> memref<128x256xf32, #tpu.memory_space<hbm>>
    %dma_start3A_203 = arith.constant 0 : i32
    %dma_start3A_204 = arith.constant 0 : i32
    %dma_start3A_205 = tpu.memref_slice %arg6[%dma_start3A_191, %dma_start3A_203, %dma_start3A_204] : memref<3x128x256xf32, #tpu.memory_space<vmem>> -> memref<1x128x256xf32, #tpu.memory_space<vmem>>
    %dma_start3A_206 = tpu.memref_squeeze %dma_start3A_205 : memref<1x128x256xf32, #tpu.memory_space<vmem>> -> memref<128x256xf32, #tpu.memory_space<vmem>>
    tpu.enqueue_dma source(%dma_start3A_206 : memref<128x256xf32, #tpu.memory_space<vmem>>) target(%dma_start3A_202 : memref<128x256xf32, #tpu.memory_space<hbm>>) target_semaphore(%dma_start3A_200 : memref<!tpu.dma_semaphore, #tpu.memory_space<semaphore_mem>>)
    %dma_wait3A_207 = arith.constant 2 : i32
    %dma_wait3A_208 = arith.constant 2 : i32
    %dma_wait3A_209 = arith.constant 0 : i32
    %dma_wait3A_210 = arith.constant 0 : i32
    %dma_wait3A_211 = tpu.memref_slice %arg6[%dma_wait3A_207, %dma_wait3A_209, %dma_wait3A_210] : memref<3x128x256xf32, #tpu.memory_space<vmem>> -> memref<1x128x256xf32, #tpu.memory_space<vmem>>
    %dma_wait3A_212 = tpu.memref_squeeze %dma_wait3A_211 : memref<1x128x256xf32, #tpu.memory_space<vmem>> -> memref<128x256xf32, #tpu.memory_space<vmem>>
    %dma_wait3A_213 = arith.constant 0 : i32
    %dma_wait3A_214 = tpu.memref_slice %arg4[%add3A_190, %dma_wait3A_213] : memref<32768x256xf32, #tpu.memory_space<hbm>> -> memref<128x256xf32, #tpu.memory_space<hbm>>
    %dma_wait3A_215 = tpu.memref_slice %arg8[%dma_wait3A_208] : memref<3x!tpu.dma_semaphore, #tpu.memory_space<semaphore_mem>> -> memref<1x!tpu.dma_semaphore, #tpu.memory_space<semaphore_mem>>
    %dma_wait3A_216 = tpu.memref_squeeze %dma_wait3A_215 : memref<1x!tpu.dma_semaphore, #tpu.memory_space<semaphore_mem>> -> memref<!tpu.dma_semaphore, #tpu.memory_space<semaphore_mem>>
    %dma_wait3A_217 = arith.constant 0 : i32
    %dma_wait3A_218 = tpu.memref_slice %arg4[%add3A_190, %dma_wait3A_217] : memref<32768x256xf32, #tpu.memory_space<hbm>> -> memref<128x256xf32, #tpu.memory_space<hbm>>
    %dma_wait3A_219 = arith.constant 0 : i32
    %dma_wait3A_220 = arith.constant 0 : i32
    %dma_wait3A_221 = tpu.memref_slice %arg6[%dma_wait3A_207, %dma_wait3A_219, %dma_wait3A_220] : memref<3x128x256xf32, #tpu.memory_space<vmem>> -> memref<1x128x256xf32, #tpu.memory_space<vmem>>
    %dma_wait3A_222 = tpu.memref_squeeze %dma_wait3A_221 : memref<1x128x256xf32, #tpu.memory_space<vmem>> -> memref<128x256xf32, #tpu.memory_space<vmem>>
    tpu.wait_dma2 semaphore(%dma_wait3A_216 : memref<!tpu.dma_semaphore, #tpu.memory_space<semaphore_mem>>) src(%dma_wait3A_222 : memref<128x256xf32, #tpu.memory_space<vmem>>) dst(%dma_wait3A_218 : memref<128x256xf32, #tpu.memory_space<hbm>>)
    %dma_start3A_223 = arith.constant 5 : i32
    %dma_start3A_224 = arith.constant 2 : i32
    %dma_start3A_225 = arith.constant 2 : i32
    %dma_start3A_226 = arith.constant 0 : i32
    %dma_start3A_227 = arith.constant 0 : i32
    %dma_start3A_228 = tpu.memref_slice %arg6[%dma_start3A_224, %dma_start3A_226, %dma_start3A_227] : memref<3x128x256xf32, #tpu.memory_space<vmem>> -> memref<1x128x256xf32, #tpu.memory_space<vmem>>
    %dma_start3A_229 = tpu.memref_squeeze %dma_start3A_228 : memref<1x128x256xf32, #tpu.memory_space<vmem>> -> memref<128x256xf32, #tpu.memory_space<vmem>>
    %dma_start3A_230 = arith.constant 0 : i32
    %dma_start3A_231 = tpu.memref_slice %arg5[%dma_start3A_223, %dma_start3A_230] : memref<8x128xi32, #tpu.memory_space<vmem>> -> memref<1x128xi32, #tpu.memory_space<vmem>>
    %dma_start3A_232 = tpu.memref_squeeze %dma_start3A_231 : memref<1x128xi32, #tpu.memory_space<vmem>> -> memref<128xi32, #tpu.memory_space<vmem>>
    %dma_start3A_233 = arith.constant 0 : i32
    %dma_start3A_234 = arith.constant 0 : i32
    %dma_start3A_235 = tpu.memref_slice %arg2[%dma_start3A_233, %dma_start3A_234] : memref<65536x256xf32, #tpu.memory_space<hbm>> -> memref<65536x256xf32, #tpu.memory_space<hbm>>
    %dma_start3A_236 = tpu.memref_slice %arg7[%dma_start3A_225] : memref<3x!tpu.dma_semaphore, #tpu.memory_space<semaphore_mem>> -> memref<1x!tpu.dma_semaphore, #tpu.memory_space<semaphore_mem>>
    %dma_start3A_237 = tpu.memref_squeeze %dma_start3A_236 : memref<1x!tpu.dma_semaphore, #tpu.memory_space<semaphore_mem>> -> memref<!tpu.dma_semaphore, #tpu.memory_space<semaphore_mem>>
    tpu.enqueue_indirect_dma source(%dma_start3A_235 : memref<65536x256xf32, #tpu.memory_space<hbm>>) target(%dma_start3A_229 : memref<128x256xf32, #tpu.memory_space<vmem>>) offsets(%dma_start3A_232 : memref<128xi32, #tpu.memory_space<vmem>>) semaphore(%dma_start3A_237 : memref<!tpu.dma_semaphore, #tpu.memory_space<semaphore_mem>>)
    %dma_wait3A_238 = arith.constant 3 : i32
    %dma_wait3A_239 = arith.constant 0 : i32
    %dma_wait3A_240 = arith.constant 0 : i32
    %dma_wait3A_241 = arith.constant 0 : i32
    %dma_wait3A_242 = arith.constant 0 : i32
    %dma_wait3A_243 = tpu.memref_slice %arg6[%dma_wait3A_239, %dma_wait3A_241, %dma_wait3A_242] : memref<3x128x256xf32, #tpu.memory_space<vmem>> -> memref<1x128x256xf32, #tpu.memory_space<vmem>>
    %dma_wait3A_244 = tpu.memref_squeeze %dma_wait3A_243 : memref<1x128x256xf32, #tpu.memory_space<vmem>> -> memref<128x256xf32, #tpu.memory_space<vmem>>
    %dma_wait3A_245 = arith.constant 0 : i32
    %dma_wait3A_246 = tpu.memref_slice %arg5[%dma_wait3A_238, %dma_wait3A_245] : memref<8x128xi32, #tpu.memory_space<vmem>> -> memref<1x128xi32, #tpu.memory_space<vmem>>
    %dma_wait3A_247 = tpu.memref_squeeze %dma_wait3A_246 : memref<1x128xi32, #tpu.memory_space<vmem>> -> memref<128xi32, #tpu.memory_space<vmem>>
    %dma_wait3A_248 = arith.constant 0 : i32
    %dma_wait3A_249 = arith.constant 0 : i32
    %dma_wait3A_250 = tpu.memref_slice %arg2[%dma_wait3A_248, %dma_wait3A_249] : memref<65536x256xf32, #tpu.memory_space<hbm>> -> memref<65536x256xf32, #tpu.memory_space<hbm>>
    %dma_wait3A_251 = tpu.memref_slice %arg7[%dma_wait3A_240] : memref<3x!tpu.dma_semaphore, #tpu.memory_space<semaphore_mem>> -> memref<1x!tpu.dma_semaphore, #tpu.memory_space<semaphore_mem>>
    %dma_wait3A_252 = tpu.memref_squeeze %dma_wait3A_251 : memref<1x!tpu.dma_semaphore, #tpu.memory_space<semaphore_mem>> -> memref<!tpu.dma_semaphore, #tpu.memory_space<semaphore_mem>>
    tpu.wait_indirect_dma semaphore(%dma_wait3A_252 : memref<!tpu.dma_semaphore, #tpu.memory_space<semaphore_mem>>) src(%dma_wait3A_250 : memref<65536x256xf32, #tpu.memory_space<hbm>>) dst(%dma_wait3A_244 : memref<128x256xf32, #tpu.memory_space<vmem>>)
    %add3A_253 = arith.constant 384 : i32
    %add3A_254 = arith.addi %mul3A_2, %add3A_253 : i32
    %dma_start3A_255 = arith.constant 0 : i32
    %dma_start3A_256 = arith.constant 0 : i32
    %dma_start3A_257 = arith.constant 0 : i32
    %dma_start3A_258 = arith.constant 0 : i32
    %dma_start3A_259 = tpu.memref_slice %arg6[%dma_start3A_255, %dma_start3A_257, %dma_start3A_258] : memref<3x128x256xf32, #tpu.memory_space<vmem>> -> memref<1x128x256xf32, #tpu.memory_space<vmem>>
    %dma_start3A_260 = tpu.memref_squeeze %dma_start3A_259 : memref<1x128x256xf32, #tpu.memory_space<vmem>> -> memref<128x256xf32, #tpu.memory_space<vmem>>
    %dma_start3A_261 = arith.constant 0 : i32
    %dma_start3A_262 = tpu.memref_slice %arg4[%add3A_254, %dma_start3A_261] : memref<32768x256xf32, #tpu.memory_space<hbm>> -> memref<128x256xf32, #tpu.memory_space<hbm>>
    %dma_start3A_263 = tpu.memref_slice %arg8[%dma_start3A_256] : memref<3x!tpu.dma_semaphore, #tpu.memory_space<semaphore_mem>> -> memref<1x!tpu.dma_semaphore, #tpu.memory_space<semaphore_mem>>
    %dma_start3A_264 = tpu.memref_squeeze %dma_start3A_263 : memref<1x!tpu.dma_semaphore, #tpu.memory_space<semaphore_mem>> -> memref<!tpu.dma_semaphore, #tpu.memory_space<semaphore_mem>>
    %dma_start3A_265 = arith.constant 0 : i32
    %dma_start3A_266 = tpu.memref_slice %arg4[%add3A_254, %dma_start3A_265] : memref<32768x256xf32, #tpu.memory_space<hbm>> -> memref<128x256xf32, #tpu.memory_space<hbm>>
    %dma_start3A_267 = arith.constant 0 : i32
    %dma_start3A_268 = arith.constant 0 : i32
    %dma_start3A_269 = tpu.memref_slice %arg6[%dma_start3A_255, %dma_start3A_267, %dma_start3A_268] : memref<3x128x256xf32, #tpu.memory_space<vmem>> -> memref<1x128x256xf32, #tpu.memory_space<vmem>>
    %dma_start3A_270 = tpu.memref_squeeze %dma_start3A_269 : memref<1x128x256xf32, #tpu.memory_space<vmem>> -> memref<128x256xf32, #tpu.memory_space<vmem>>
    tpu.enqueue_dma source(%dma_start3A_270 : memref<128x256xf32, #tpu.memory_space<vmem>>) target(%dma_start3A_266 : memref<128x256xf32, #tpu.memory_space<hbm>>) target_semaphore(%dma_start3A_264 : memref<!tpu.dma_semaphore, #tpu.memory_space<semaphore_mem>>)
    %dma_wait3A_271 = arith.constant 0 : i32
    %dma_wait3A_272 = arith.constant 0 : i32
    %dma_wait3A_273 = arith.constant 0 : i32
    %dma_wait3A_274 = arith.constant 0 : i32
    %dma_wait3A_275 = tpu.memref_slice %arg6[%dma_wait3A_271, %dma_wait3A_273, %dma_wait3A_274] : memref<3x128x256xf32, #tpu.memory_space<vmem>> -> memref<1x128x256xf32, #tpu.memory_space<vmem>>
    %dma_wait3A_276 = tpu.memref_squeeze %dma_wait3A_275 : memref<1x128x256xf32, #tpu.memory_space<vmem>> -> memref<128x256xf32, #tpu.memory_space<vmem>>
    %dma_wait3A_277 = arith.constant 0 : i32
    %dma_wait3A_278 = tpu.memref_slice %arg4[%add3A_254, %dma_wait3A_277] : memref<32768x256xf32, #tpu.memory_space<hbm>> -> memref<128x256xf32, #tpu.memory_space<hbm>>
    %dma_wait3A_279 = tpu.memref_slice %arg8[%dma_wait3A_272] : memref<3x!tpu.dma_semaphore, #tpu.memory_space<semaphore_mem>> -> memref<1x!tpu.dma_semaphore, #tpu.memory_space<semaphore_mem>>
    %dma_wait3A_280 = tpu.memref_squeeze %dma_wait3A_279 : memref<1x!tpu.dma_semaphore, #tpu.memory_space<semaphore_mem>> -> memref<!tpu.dma_semaphore, #tpu.memory_space<semaphore_mem>>
    %dma_wait3A_281 = arith.constant 0 : i32
    %dma_wait3A_282 = tpu.memref_slice %arg4[%add3A_254, %dma_wait3A_281] : memref<32768x256xf32, #tpu.memory_space<hbm>> -> memref<128x256xf32, #tpu.memory_space<hbm>>
    %dma_wait3A_283 = arith.constant 0 : i32
    %dma_wait3A_284 = arith.constant 0 : i32
    %dma_wait3A_285 = tpu.memref_slice %arg6[%dma_wait3A_271, %dma_wait3A_283, %dma_wait3A_284] : memref<3x128x256xf32, #tpu.memory_space<vmem>> -> memref<1x128x256xf32, #tpu.memory_space<vmem>>
    %dma_wait3A_286 = tpu.memref_squeeze %dma_wait3A_285 : memref<1x128x256xf32, #tpu.memory_space<vmem>> -> memref<128x256xf32, #tpu.memory_space<vmem>>
    tpu.wait_dma2 semaphore(%dma_wait3A_280 : memref<!tpu.dma_semaphore, #tpu.memory_space<semaphore_mem>>) src(%dma_wait3A_286 : memref<128x256xf32, #tpu.memory_space<vmem>>) dst(%dma_wait3A_282 : memref<128x256xf32, #tpu.memory_space<hbm>>)
    %dma_start3A_287 = arith.constant 6 : i32
    %dma_start3A_288 = arith.constant 0 : i32
    %dma_start3A_289 = arith.constant 0 : i32
    %dma_start3A_290 = arith.constant 0 : i32
    %dma_start3A_291 = arith.constant 0 : i32
    %dma_start3A_292 = tpu.memref_slice %arg6[%dma_start3A_288, %dma_start3A_290, %dma_start3A_291] : memref<3x128x256xf32, #tpu.memory_space<vmem>> -> memref<1x128x256xf32, #tpu.memory_space<vmem>>
    %dma_start3A_293 = tpu.memref_squeeze %dma_start3A_292 : memref<1x128x256xf32, #tpu.memory_space<vmem>> -> memref<128x256xf32, #tpu.memory_space<vmem>>
    %dma_start3A_294 = arith.constant 0 : i32
    %dma_start3A_295 = tpu.memref_slice %arg5[%dma_start3A_287, %dma_start3A_294] : memref<8x128xi32, #tpu.memory_space<vmem>> -> memref<1x128xi32, #tpu.memory_space<vmem>>
    %dma_start3A_296 = tpu.memref_squeeze %dma_start3A_295 : memref<1x128xi32, #tpu.memory_space<vmem>> -> memref<128xi32, #tpu.memory_space<vmem>>
    %dma_start3A_297 = arith.constant 0 : i32
    %dma_start3A_298 = arith.constant 0 : i32
    %dma_start3A_299 = tpu.memref_slice %arg2[%dma_start3A_297, %dma_start3A_298] : memref<65536x256xf32, #tpu.memory_space<hbm>> -> memref<65536x256xf32, #tpu.memory_space<hbm>>
    %dma_start3A_300 = tpu.memref_slice %arg7[%dma_start3A_289] : memref<3x!tpu.dma_semaphore, #tpu.memory_space<semaphore_mem>> -> memref<1x!tpu.dma_semaphore, #tpu.memory_space<semaphore_mem>>
    %dma_start3A_301 = tpu.memref_squeeze %dma_start3A_300 : memref<1x!tpu.dma_semaphore, #tpu.memory_space<semaphore_mem>> -> memref<!tpu.dma_semaphore, #tpu.memory_space<semaphore_mem>>
    tpu.enqueue_indirect_dma source(%dma_start3A_299 : memref<65536x256xf32, #tpu.memory_space<hbm>>) target(%dma_start3A_293 : memref<128x256xf32, #tpu.memory_space<vmem>>) offsets(%dma_start3A_296 : memref<128xi32, #tpu.memory_space<vmem>>) semaphore(%dma_start3A_301 : memref<!tpu.dma_semaphore, #tpu.memory_space<semaphore_mem>>)
    %dma_wait3A_302 = arith.constant 4 : i32
    %dma_wait3A_303 = arith.constant 1 : i32
    %dma_wait3A_304 = arith.constant 1 : i32
    %dma_wait3A_305 = arith.constant 0 : i32
    %dma_wait3A_306 = arith.constant 0 : i32
    %dma_wait3A_307 = tpu.memref_slice %arg6[%dma_wait3A_303, %dma_wait3A_305, %dma_wait3A_306] : memref<3x128x256xf32, #tpu.memory_space<vmem>> -> memref<1x128x256xf32, #tpu.memory_space<vmem>>
    %dma_wait3A_308 = tpu.memref_squeeze %dma_wait3A_307 : memref<1x128x256xf32, #tpu.memory_space<vmem>> -> memref<128x256xf32, #tpu.memory_space<vmem>>
    %dma_wait3A_309 = arith.constant 0 : i32
    %dma_wait3A_310 = tpu.memref_slice %arg5[%dma_wait3A_302, %dma_wait3A_309] : memref<8x128xi32, #tpu.memory_space<vmem>> -> memref<1x128xi32, #tpu.memory_space<vmem>>
    %dma_wait3A_311 = tpu.memref_squeeze %dma_wait3A_310 : memref<1x128xi32, #tpu.memory_space<vmem>> -> memref<128xi32, #tpu.memory_space<vmem>>
    %dma_wait3A_312 = arith.constant 0 : i32
    %dma_wait3A_313 = arith.constant 0 : i32
    %dma_wait3A_314 = tpu.memref_slice %arg2[%dma_wait3A_312, %dma_wait3A_313] : memref<65536x256xf32, #tpu.memory_space<hbm>> -> memref<65536x256xf32, #tpu.memory_space<hbm>>
    %dma_wait3A_315 = tpu.memref_slice %arg7[%dma_wait3A_304] : memref<3x!tpu.dma_semaphore, #tpu.memory_space<semaphore_mem>> -> memref<1x!tpu.dma_semaphore, #tpu.memory_space<semaphore_mem>>
    %dma_wait3A_316 = tpu.memref_squeeze %dma_wait3A_315 : memref<1x!tpu.dma_semaphore, #tpu.memory_space<semaphore_mem>> -> memref<!tpu.dma_semaphore, #tpu.memory_space<semaphore_mem>>
    tpu.wait_indirect_dma semaphore(%dma_wait3A_316 : memref<!tpu.dma_semaphore, #tpu.memory_space<semaphore_mem>>) src(%dma_wait3A_314 : memref<65536x256xf32, #tpu.memory_space<hbm>>) dst(%dma_wait3A_308 : memref<128x256xf32, #tpu.memory_space<vmem>>)
    %add3A_317 = arith.constant 512 : i32
    %add3A_318 = arith.addi %mul3A_2, %add3A_317 : i32
    %dma_start3A_319 = arith.constant 1 : i32
    %dma_start3A_320 = arith.constant 1 : i32
    %dma_start3A_321 = arith.constant 0 : i32
    %dma_start3A_322 = arith.constant 0 : i32
    %dma_start3A_323 = tpu.memref_slice %arg6[%dma_start3A_319, %dma_start3A_321, %dma_start3A_322] : memref<3x128x256xf32, #tpu.memory_space<vmem>> -> memref<1x128x256xf32, #tpu.memory_space<vmem>>
    %dma_start3A_324 = tpu.memref_squeeze %dma_start3A_323 : memref<1x128x256xf32, #tpu.memory_space<vmem>> -> memref<128x256xf32, #tpu.memory_space<vmem>>
    %dma_start3A_325 = arith.constant 0 : i32
    %dma_start3A_326 = tpu.memref_slice %arg4[%add3A_318, %dma_start3A_325] : memref<32768x256xf32, #tpu.memory_space<hbm>> -> memref<128x256xf32, #tpu.memory_space<hbm>>
    %dma_start3A_327 = tpu.memref_slice %arg8[%dma_start3A_320] : memref<3x!tpu.dma_semaphore, #tpu.memory_space<semaphore_mem>> -> memref<1x!tpu.dma_semaphore, #tpu.memory_space<semaphore_mem>>
    %dma_start3A_328 = tpu.memref_squeeze %dma_start3A_327 : memref<1x!tpu.dma_semaphore, #tpu.memory_space<semaphore_mem>> -> memref<!tpu.dma_semaphore, #tpu.memory_space<semaphore_mem>>
    %dma_start3A_329 = arith.constant 0 : i32
    %dma_start3A_330 = tpu.memref_slice %arg4[%add3A_318, %dma_start3A_329] : memref<32768x256xf32, #tpu.memory_space<hbm>> -> memref<128x256xf32, #tpu.memory_space<hbm>>
    %dma_start3A_331 = arith.constant 0 : i32
    %dma_start3A_332 = arith.constant 0 : i32
    %dma_start3A_333 = tpu.memref_slice %arg6[%dma_start3A_319, %dma_start3A_331, %dma_start3A_332] : memref<3x128x256xf32, #tpu.memory_space<vmem>> -> memref<1x128x256xf32, #tpu.memory_space<vmem>>
    %dma_start3A_334 = tpu.memref_squeeze %dma_start3A_333 : memref<1x128x256xf32, #tpu.memory_space<vmem>> -> memref<128x256xf32, #tpu.memory_space<vmem>>
    tpu.enqueue_dma source(%dma_start3A_334 : memref<128x256xf32, #tpu.memory_space<vmem>>) target(%dma_start3A_330 : memref<128x256xf32, #tpu.memory_space<hbm>>) target_semaphore(%dma_start3A_328 : memref<!tpu.dma_semaphore, #tpu.memory_space<semaphore_mem>>)
    %dma_wait3A_335 = arith.constant 1 : i32
    %dma_wait3A_336 = arith.constant 1 : i32
    %dma_wait3A_337 = arith.constant 0 : i32
    %dma_wait3A_338 = arith.constant 0 : i32
    %dma_wait3A_339 = tpu.memref_slice %arg6[%dma_wait3A_335, %dma_wait3A_337, %dma_wait3A_338] : memref<3x128x256xf32, #tpu.memory_space<vmem>> -> memref<1x128x256xf32, #tpu.memory_space<vmem>>
    %dma_wait3A_340 = tpu.memref_squeeze %dma_wait3A_339 : memref<1x128x256xf32, #tpu.memory_space<vmem>> -> memref<128x256xf32, #tpu.memory_space<vmem>>
    %dma_wait3A_341 = arith.constant 0 : i32
    %dma_wait3A_342 = tpu.memref_slice %arg4[%add3A_318, %dma_wait3A_341] : memref<32768x256xf32, #tpu.memory_space<hbm>> -> memref<128x256xf32, #tpu.memory_space<hbm>>
    %dma_wait3A_343 = tpu.memref_slice %arg8[%dma_wait3A_336] : memref<3x!tpu.dma_semaphore, #tpu.memory_space<semaphore_mem>> -> memref<1x!tpu.dma_semaphore, #tpu.memory_space<semaphore_mem>>
    %dma_wait3A_344 = tpu.memref_squeeze %dma_wait3A_343 : memref<1x!tpu.dma_semaphore, #tpu.memory_space<semaphore_mem>> -> memref<!tpu.dma_semaphore, #tpu.memory_space<semaphore_mem>>
    %dma_wait3A_345 = arith.constant 0 : i32
    %dma_wait3A_346 = tpu.memref_slice %arg4[%add3A_318, %dma_wait3A_345] : memref<32768x256xf32, #tpu.memory_space<hbm>> -> memref<128x256xf32, #tpu.memory_space<hbm>>
    %dma_wait3A_347 = arith.constant 0 : i32
    %dma_wait3A_348 = arith.constant 0 : i32
    %dma_wait3A_349 = tpu.memref_slice %arg6[%dma_wait3A_335, %dma_wait3A_347, %dma_wait3A_348] : memref<3x128x256xf32, #tpu.memory_space<vmem>> -> memref<1x128x256xf32, #tpu.memory_space<vmem>>
    %dma_wait3A_350 = tpu.memref_squeeze %dma_wait3A_349 : memref<1x128x256xf32, #tpu.memory_space<vmem>> -> memref<128x256xf32, #tpu.memory_space<vmem>>
    tpu.wait_dma2 semaphore(%dma_wait3A_344 : memref<!tpu.dma_semaphore, #tpu.memory_space<semaphore_mem>>) src(%dma_wait3A_350 : memref<128x256xf32, #tpu.memory_space<vmem>>) dst(%dma_wait3A_346 : memref<128x256xf32, #tpu.memory_space<hbm>>)
    %dma_start3A_351 = arith.constant 7 : i32
    %dma_start3A_352 = arith.constant 1 : i32
    %dma_start3A_353 = arith.constant 1 : i32
    %dma_start3A_354 = arith.constant 0 : i32
    %dma_start3A_355 = arith.constant 0 : i32
    %dma_start3A_356 = tpu.memref_slice %arg6[%dma_start3A_352, %dma_start3A_354, %dma_start3A_355] : memref<3x128x256xf32, #tpu.memory_space<vmem>> -> memref<1x128x256xf32, #tpu.memory_space<vmem>>
    %dma_start3A_357 = tpu.memref_squeeze %dma_start3A_356 : memref<1x128x256xf32, #tpu.memory_space<vmem>> -> memref<128x256xf32, #tpu.memory_space<vmem>>
    %dma_start3A_358 = arith.constant 0 : i32
    %dma_start3A_359 = tpu.memref_slice %arg5[%dma_start3A_351, %dma_start3A_358] : memref<8x128xi32, #tpu.memory_space<vmem>> -> memref<1x128xi32, #tpu.memory_space<vmem>>
    %dma_start3A_360 = tpu.memref_squeeze %dma_start3A_359 : memref<1x128xi32, #tpu.memory_space<vmem>> -> memref<128xi32, #tpu.memory_space<vmem>>
    %dma_start3A_361 = arith.constant 0 : i32
    %dma_start3A_362 = arith.constant 0 : i32
    %dma_start3A_363 = tpu.memref_slice %arg2[%dma_start3A_361, %dma_start3A_362] : memref<65536x256xf32, #tpu.memory_space<hbm>> -> memref<65536x256xf32, #tpu.memory_space<hbm>>
    %dma_start3A_364 = tpu.memref_slice %arg7[%dma_start3A_353] : memref<3x!tpu.dma_semaphore, #tpu.memory_space<semaphore_mem>> -> memref<1x!tpu.dma_semaphore, #tpu.memory_space<semaphore_mem>>
    %dma_start3A_365 = tpu.memref_squeeze %dma_start3A_364 : memref<1x!tpu.dma_semaphore, #tpu.memory_space<semaphore_mem>> -> memref<!tpu.dma_semaphore, #tpu.memory_space<semaphore_mem>>
    tpu.enqueue_indirect_dma source(%dma_start3A_363 : memref<65536x256xf32, #tpu.memory_space<hbm>>) target(%dma_start3A_357 : memref<128x256xf32, #tpu.memory_space<vmem>>) offsets(%dma_start3A_360 : memref<128xi32, #tpu.memory_space<vmem>>) semaphore(%dma_start3A_365 : memref<!tpu.dma_semaphore, #tpu.memory_space<semaphore_mem>>)
    %dma_wait3A_366 = arith.constant 5 : i32
    %dma_wait3A_367 = arith.constant 2 : i32
    %dma_wait3A_368 = arith.constant 2 : i32
    %dma_wait3A_369 = arith.constant 0 : i32
    %dma_wait3A_370 = arith.constant 0 : i32
    %dma_wait3A_371 = tpu.memref_slice %arg6[%dma_wait3A_367, %dma_wait3A_369, %dma_wait3A_370] : memref<3x128x256xf32, #tpu.memory_space<vmem>> -> memref<1x128x256xf32, #tpu.memory_space<vmem>>
    %dma_wait3A_372 = tpu.memref_squeeze %dma_wait3A_371 : memref<1x128x256xf32, #tpu.memory_space<vmem>> -> memref<128x256xf32, #tpu.memory_space<vmem>>
    %dma_wait3A_373 = arith.constant 0 : i32
    %dma_wait3A_374 = tpu.memref_slice %arg5[%dma_wait3A_366, %dma_wait3A_373] : memref<8x128xi32, #tpu.memory_space<vmem>> -> memref<1x128xi32, #tpu.memory_space<vmem>>
    %dma_wait3A_375 = tpu.memref_squeeze %dma_wait3A_374 : memref<1x128xi32, #tpu.memory_space<vmem>> -> memref<128xi32, #tpu.memory_space<vmem>>
    %dma_wait3A_376 = arith.constant 0 : i32
    %dma_wait3A_377 = arith.constant 0 : i32
    %dma_wait3A_378 = tpu.memref_slice %arg2[%dma_wait3A_376, %dma_wait3A_377] : memref<65536x256xf32, #tpu.memory_space<hbm>> -> memref<65536x256xf32, #tpu.memory_space<hbm>>
    %dma_wait3A_379 = tpu.memref_slice %arg7[%dma_wait3A_368] : memref<3x!tpu.dma_semaphore, #tpu.memory_space<semaphore_mem>> -> memref<1x!tpu.dma_semaphore, #tpu.memory_space<semaphore_mem>>
    %dma_wait3A_380 = tpu.memref_squeeze %dma_wait3A_379 : memref<1x!tpu.dma_semaphore, #tpu.memory_space<semaphore_mem>> -> memref<!tpu.dma_semaphore, #tpu.memory_space<semaphore_mem>>
    tpu.wait_indirect_dma semaphore(%dma_wait3A_380 : memref<!tpu.dma_semaphore, #tpu.memory_space<semaphore_mem>>) src(%dma_wait3A_378 : memref<65536x256xf32, #tpu.memory_space<hbm>>) dst(%dma_wait3A_372 : memref<128x256xf32, #tpu.memory_space<vmem>>)
    %add3A_381 = arith.constant 640 : i32
    %add3A_382 = arith.addi %mul3A_2, %add3A_381 : i32
    %dma_start3A_383 = arith.constant 2 : i32
    %dma_start3A_384 = arith.constant 2 : i32
    %dma_start3A_385 = arith.constant 0 : i32
    %dma_start3A_386 = arith.constant 0 : i32
    %dma_start3A_387 = tpu.memref_slice %arg6[%dma_start3A_383, %dma_start3A_385, %dma_start3A_386] : memref<3x128x256xf32, #tpu.memory_space<vmem>> -> memref<1x128x256xf32, #tpu.memory_space<vmem>>
    %dma_start3A_388 = tpu.memref_squeeze %dma_start3A_387 : memref<1x128x256xf32, #tpu.memory_space<vmem>> -> memref<128x256xf32, #tpu.memory_space<vmem>>
    %dma_start3A_389 = arith.constant 0 : i32
    %dma_start3A_390 = tpu.memref_slice %arg4[%add3A_382, %dma_start3A_389] : memref<32768x256xf32, #tpu.memory_space<hbm>> -> memref<128x256xf32, #tpu.memory_space<hbm>>
    %dma_start3A_391 = tpu.memref_slice %arg8[%dma_start3A_384] : memref<3x!tpu.dma_semaphore, #tpu.memory_space<semaphore_mem>> -> memref<1x!tpu.dma_semaphore, #tpu.memory_space<semaphore_mem>>
    %dma_start3A_392 = tpu.memref_squeeze %dma_start3A_391 : memref<1x!tpu.dma_semaphore, #tpu.memory_space<semaphore_mem>> -> memref<!tpu.dma_semaphore, #tpu.memory_space<semaphore_mem>>
    %dma_start3A_393 = arith.constant 0 : i32
    %dma_start3A_394 = tpu.memref_slice %arg4[%add3A_382, %dma_start3A_393] : memref<32768x256xf32, #tpu.memory_space<hbm>> -> memref<128x256xf32, #tpu.memory_space<hbm>>
    %dma_start3A_395 = arith.constant 0 : i32
    %dma_start3A_396 = arith.constant 0 : i32
    %dma_start3A_397 = tpu.memref_slice %arg6[%dma_start3A_383, %dma_start3A_395, %dma_start3A_396] : memref<3x128x256xf32, #tpu.memory_space<vmem>> -> memref<1x128x256xf32, #tpu.memory_space<vmem>>
    %dma_start3A_398 = tpu.memref_squeeze %dma_start3A_397 : memref<1x128x256xf32, #tpu.memory_space<vmem>> -> memref<128x256xf32, #tpu.memory_space<vmem>>
    tpu.enqueue_dma source(%dma_start3A_398 : memref<128x256xf32, #tpu.memory_space<vmem>>) target(%dma_start3A_394 : memref<128x256xf32, #tpu.memory_space<hbm>>) target_semaphore(%dma_start3A_392 : memref<!tpu.dma_semaphore, #tpu.memory_space<semaphore_mem>>)
    %dma_wait3A_399 = arith.constant 6 : i32
    %dma_wait3A_400 = arith.constant 0 : i32
    %dma_wait3A_401 = arith.constant 0 : i32
    %dma_wait3A_402 = arith.constant 0 : i32
    %dma_wait3A_403 = arith.constant 0 : i32
    %dma_wait3A_404 = tpu.memref_slice %arg6[%dma_wait3A_400, %dma_wait3A_402, %dma_wait3A_403] : memref<3x128x256xf32, #tpu.memory_space<vmem>> -> memref<1x128x256xf32, #tpu.memory_space<vmem>>
    %dma_wait3A_405 = tpu.memref_squeeze %dma_wait3A_404 : memref<1x128x256xf32, #tpu.memory_space<vmem>> -> memref<128x256xf32, #tpu.memory_space<vmem>>
    %dma_wait3A_406 = arith.constant 0 : i32
    %dma_wait3A_407 = tpu.memref_slice %arg5[%dma_wait3A_399, %dma_wait3A_406] : memref<8x128xi32, #tpu.memory_space<vmem>> -> memref<1x128xi32, #tpu.memory_space<vmem>>
    %dma_wait3A_408 = tpu.memref_squeeze %dma_wait3A_407 : memref<1x128xi32, #tpu.memory_space<vmem>> -> memref<128xi32, #tpu.memory_space<vmem>>
    %dma_wait3A_409 = arith.constant 0 : i32
    %dma_wait3A_410 = arith.constant 0 : i32
    %dma_wait3A_411 = tpu.memref_slice %arg2[%dma_wait3A_409, %dma_wait3A_410] : memref<65536x256xf32, #tpu.memory_space<hbm>> -> memref<65536x256xf32, #tpu.memory_space<hbm>>
    %dma_wait3A_412 = tpu.memref_slice %arg7[%dma_wait3A_401] : memref<3x!tpu.dma_semaphore, #tpu.memory_space<semaphore_mem>> -> memref<1x!tpu.dma_semaphore, #tpu.memory_space<semaphore_mem>>
    %dma_wait3A_413 = tpu.memref_squeeze %dma_wait3A_412 : memref<1x!tpu.dma_semaphore, #tpu.memory_space<semaphore_mem>> -> memref<!tpu.dma_semaphore, #tpu.memory_space<semaphore_mem>>
    tpu.wait_indirect_dma semaphore(%dma_wait3A_413 : memref<!tpu.dma_semaphore, #tpu.memory_space<semaphore_mem>>) src(%dma_wait3A_411 : memref<65536x256xf32, #tpu.memory_space<hbm>>) dst(%dma_wait3A_405 : memref<128x256xf32, #tpu.memory_space<vmem>>)
    %add3A_414 = arith.constant 768 : i32
    %add3A_415 = arith.addi %mul3A_2, %add3A_414 : i32
    %dma_start3A_416 = arith.constant 0 : i32
    %dma_start3A_417 = arith.constant 0 : i32
    %dma_start3A_418 = arith.constant 0 : i32
    %dma_start3A_419 = arith.constant 0 : i32
    %dma_start3A_420 = tpu.memref_slice %arg6[%dma_start3A_416, %dma_start3A_418, %dma_start3A_419] : memref<3x128x256xf32, #tpu.memory_space<vmem>> -> memref<1x128x256xf32, #tpu.memory_space<vmem>>
    %dma_start3A_421 = tpu.memref_squeeze %dma_start3A_420 : memref<1x128x256xf32, #tpu.memory_space<vmem>> -> memref<128x256xf32, #tpu.memory_space<vmem>>
    %dma_start3A_422 = arith.constant 0 : i32
    %dma_start3A_423 = tpu.memref_slice %arg4[%add3A_415, %dma_start3A_422] : memref<32768x256xf32, #tpu.memory_space<hbm>> -> memref<128x256xf32, #tpu.memory_space<hbm>>
    %dma_start3A_424 = tpu.memref_slice %arg8[%dma_start3A_417] : memref<3x!tpu.dma_semaphore, #tpu.memory_space<semaphore_mem>> -> memref<1x!tpu.dma_semaphore, #tpu.memory_space<semaphore_mem>>
    %dma_start3A_425 = tpu.memref_squeeze %dma_start3A_424 : memref<1x!tpu.dma_semaphore, #tpu.memory_space<semaphore_mem>> -> memref<!tpu.dma_semaphore, #tpu.memory_space<semaphore_mem>>
    %dma_start3A_426 = arith.constant 0 : i32
    %dma_start3A_427 = tpu.memref_slice %arg4[%add3A_415, %dma_start3A_426] : memref<32768x256xf32, #tpu.memory_space<hbm>> -> memref<128x256xf32, #tpu.memory_space<hbm>>
    %dma_start3A_428 = arith.constant 0 : i32
    %dma_start3A_429 = arith.constant 0 : i32
    %dma_start3A_430 = tpu.memref_slice %arg6[%dma_start3A_416, %dma_start3A_428, %dma_start3A_429] : memref<3x128x256xf32, #tpu.memory_space<vmem>> -> memref<1x128x256xf32, #tpu.memory_space<vmem>>
    %dma_start3A_431 = tpu.memref_squeeze %dma_start3A_430 : memref<1x128x256xf32, #tpu.memory_space<vmem>> -> memref<128x256xf32, #tpu.memory_space<vmem>>
    tpu.enqueue_dma source(%dma_start3A_431 : memref<128x256xf32, #tpu.memory_space<vmem>>) target(%dma_start3A_427 : memref<128x256xf32, #tpu.memory_space<hbm>>) target_semaphore(%dma_start3A_425 : memref<!tpu.dma_semaphore, #tpu.memory_space<semaphore_mem>>)
    %dma_wait3A_432 = arith.constant 7 : i32
    %dma_wait3A_433 = arith.constant 1 : i32
    %dma_wait3A_434 = arith.constant 1 : i32
    %dma_wait3A_435 = arith.constant 0 : i32
    %dma_wait3A_436 = arith.constant 0 : i32
    %dma_wait3A_437 = tpu.memref_slice %arg6[%dma_wait3A_433, %dma_wait3A_435, %dma_wait3A_436] : memref<3x128x256xf32, #tpu.memory_space<vmem>> -> memref<1x128x256xf32, #tpu.memory_space<vmem>>
    %dma_wait3A_438 = tpu.memref_squeeze %dma_wait3A_437 : memref<1x128x256xf32, #tpu.memory_space<vmem>> -> memref<128x256xf32, #tpu.memory_space<vmem>>
    %dma_wait3A_439 = arith.constant 0 : i32
    %dma_wait3A_440 = tpu.memref_slice %arg5[%dma_wait3A_432, %dma_wait3A_439] : memref<8x128xi32, #tpu.memory_space<vmem>> -> memref<1x128xi32, #tpu.memory_space<vmem>>
    %dma_wait3A_441 = tpu.memref_squeeze %dma_wait3A_440 : memref<1x128xi32, #tpu.memory_space<vmem>> -> memref<128xi32, #tpu.memory_space<vmem>>
    %dma_wait3A_442 = arith.constant 0 : i32
    %dma_wait3A_443 = arith.constant 0 : i32
    %dma_wait3A_444 = tpu.memref_slice %arg2[%dma_wait3A_442, %dma_wait3A_443] : memref<65536x256xf32, #tpu.memory_space<hbm>> -> memref<65536x256xf32, #tpu.memory_space<hbm>>
    %dma_wait3A_445 = tpu.memref_slice %arg7[%dma_wait3A_434] : memref<3x!tpu.dma_semaphore, #tpu.memory_space<semaphore_mem>> -> memref<1x!tpu.dma_semaphore, #tpu.memory_space<semaphore_mem>>
    %dma_wait3A_446 = tpu.memref_squeeze %dma_wait3A_445 : memref<1x!tpu.dma_semaphore, #tpu.memory_space<semaphore_mem>> -> memref<!tpu.dma_semaphore, #tpu.memory_space<semaphore_mem>>
    tpu.wait_indirect_dma semaphore(%dma_wait3A_446 : memref<!tpu.dma_semaphore, #tpu.memory_space<semaphore_mem>>) src(%dma_wait3A_444 : memref<65536x256xf32, #tpu.memory_space<hbm>>) dst(%dma_wait3A_438 : memref<128x256xf32, #tpu.memory_space<vmem>>)
    %add3A_447 = arith.constant 896 : i32
    %add3A_448 = arith.addi %mul3A_2, %add3A_447 : i32
    %dma_start3A_449 = arith.constant 1 : i32
    %dma_start3A_450 = arith.constant 1 : i32
    %dma_start3A_451 = arith.constant 0 : i32
    %dma_start3A_452 = arith.constant 0 : i32
    %dma_start3A_453 = tpu.memref_slice %arg6[%dma_start3A_449, %dma_start3A_451, %dma_start3A_452] : memref<3x128x256xf32, #tpu.memory_space<vmem>> -> memref<1x128x256xf32, #tpu.memory_space<vmem>>
    %dma_start3A_454 = tpu.memref_squeeze %dma_start3A_453 : memref<1x128x256xf32, #tpu.memory_space<vmem>> -> memref<128x256xf32, #tpu.memory_space<vmem>>
    %dma_start3A_455 = arith.constant 0 : i32
    %dma_start3A_456 = tpu.memref_slice %arg4[%add3A_448, %dma_start3A_455] : memref<32768x256xf32, #tpu.memory_space<hbm>> -> memref<128x256xf32, #tpu.memory_space<hbm>>
    %dma_start3A_457 = tpu.memref_slice %arg8[%dma_start3A_450] : memref<3x!tpu.dma_semaphore, #tpu.memory_space<semaphore_mem>> -> memref<1x!tpu.dma_semaphore, #tpu.memory_space<semaphore_mem>>
    %dma_start3A_458 = tpu.memref_squeeze %dma_start3A_457 : memref<1x!tpu.dma_semaphore, #tpu.memory_space<semaphore_mem>> -> memref<!tpu.dma_semaphore, #tpu.memory_space<semaphore_mem>>
    %dma_start3A_459 = arith.constant 0 : i32
    %dma_start3A_460 = tpu.memref_slice %arg4[%add3A_448, %dma_start3A_459] : memref<32768x256xf32, #tpu.memory_space<hbm>> -> memref<128x256xf32, #tpu.memory_space<hbm>>
    %dma_start3A_461 = arith.constant 0 : i32
    %dma_start3A_462 = arith.constant 0 : i32
    %dma_start3A_463 = tpu.memref_slice %arg6[%dma_start3A_449, %dma_start3A_461, %dma_start3A_462] : memref<3x128x256xf32, #tpu.memory_space<vmem>> -> memref<1x128x256xf32, #tpu.memory_space<vmem>>
    %dma_start3A_464 = tpu.memref_squeeze %dma_start3A_463 : memref<1x128x256xf32, #tpu.memory_space<vmem>> -> memref<128x256xf32, #tpu.memory_space<vmem>>
    tpu.enqueue_dma source(%dma_start3A_464 : memref<128x256xf32, #tpu.memory_space<vmem>>) target(%dma_start3A_460 : memref<128x256xf32, #tpu.memory_space<hbm>>) target_semaphore(%dma_start3A_458 : memref<!tpu.dma_semaphore, #tpu.memory_space<semaphore_mem>>)
    %dma_wait3A_465 = arith.constant 2 : i32
    %dma_wait3A_466 = arith.constant 2 : i32
    %dma_wait3A_467 = arith.constant 0 : i32
    %dma_wait3A_468 = arith.constant 0 : i32
    %dma_wait3A_469 = tpu.memref_slice %arg6[%dma_wait3A_465, %dma_wait3A_467, %dma_wait3A_468] : memref<3x128x256xf32, #tpu.memory_space<vmem>> -> memref<1x128x256xf32, #tpu.memory_space<vmem>>
    %dma_wait3A_470 = tpu.memref_squeeze %dma_wait3A_469 : memref<1x128x256xf32, #tpu.memory_space<vmem>> -> memref<128x256xf32, #tpu.memory_space<vmem>>
    %dma_wait3A_471 = arith.constant 0 : i32
    %dma_wait3A_472 = tpu.memref_slice %arg4[%add3A_382, %dma_wait3A_471] : memref<32768x256xf32, #tpu.memory_space<hbm>> -> memref<128x256xf32, #tpu.memory_space<hbm>>
    %dma_wait3A_473 = tpu.memref_slice %arg8[%dma_wait3A_466] : memref<3x!tpu.dma_semaphore, #tpu.memory_space<semaphore_mem>> -> memref<1x!tpu.dma_semaphore, #tpu.memory_space<semaphore_mem>>
    %dma_wait3A_474 = tpu.memref_squeeze %dma_wait3A_473 : memref<1x!tpu.dma_semaphore, #tpu.memory_space<semaphore_mem>> -> memref<!tpu.dma_semaphore, #tpu.memory_space<semaphore_mem>>
    %dma_wait3A_475 = arith.constant 0 : i32
    %dma_wait3A_476 = tpu.memref_slice %arg4[%add3A_382, %dma_wait3A_475] : memref<32768x256xf32, #tpu.memory_space<hbm>> -> memref<128x256xf32, #tpu.memory_space<hbm>>
    %dma_wait3A_477 = arith.constant 0 : i32
    %dma_wait3A_478 = arith.constant 0 : i32
    %dma_wait3A_479 = tpu.memref_slice %arg6[%dma_wait3A_465, %dma_wait3A_477, %dma_wait3A_478] : memref<3x128x256xf32, #tpu.memory_space<vmem>> -> memref<1x128x256xf32, #tpu.memory_space<vmem>>
    %dma_wait3A_480 = tpu.memref_squeeze %dma_wait3A_479 : memref<1x128x256xf32, #tpu.memory_space<vmem>> -> memref<128x256xf32, #tpu.memory_space<vmem>>
    tpu.wait_dma2 semaphore(%dma_wait3A_474 : memref<!tpu.dma_semaphore, #tpu.memory_space<semaphore_mem>>) src(%dma_wait3A_480 : memref<128x256xf32, #tpu.memory_space<vmem>>) dst(%dma_wait3A_476 : memref<128x256xf32, #tpu.memory_space<hbm>>)
    %dma_wait3A_481 = arith.constant 0 : i32
    %dma_wait3A_482 = arith.constant 0 : i32
    %dma_wait3A_483 = arith.constant 0 : i32
    %dma_wait3A_484 = arith.constant 0 : i32
    %dma_wait3A_485 = tpu.memref_slice %arg6[%dma_wait3A_481, %dma_wait3A_483, %dma_wait3A_484] : memref<3x128x256xf32, #tpu.memory_space<vmem>> -> memref<1x128x256xf32, #tpu.memory_space<vmem>>
    %dma_wait3A_486 = tpu.memref_squeeze %dma_wait3A_485 : memref<1x128x256xf32, #tpu.memory_space<vmem>> -> memref<128x256xf32, #tpu.memory_space<vmem>>
    %dma_wait3A_487 = arith.constant 0 : i32
    %dma_wait3A_488 = tpu.memref_slice %arg4[%add3A_415, %dma_wait3A_487] : memref<32768x256xf32, #tpu.memory_space<hbm>> -> memref<128x256xf32, #tpu.memory_space<hbm>>
    %dma_wait3A_489 = tpu.memref_slice %arg8[%dma_wait3A_482] : memref<3x!tpu.dma_semaphore, #tpu.memory_space<semaphore_mem>> -> memref<1x!tpu.dma_semaphore, #tpu.memory_space<semaphore_mem>>
    %dma_wait3A_490 = tpu.memref_squeeze %dma_wait3A_489 : memref<1x!tpu.dma_semaphore, #tpu.memory_space<semaphore_mem>> -> memref<!tpu.dma_semaphore, #tpu.memory_space<semaphore_mem>>
    %dma_wait3A_491 = arith.constant 0 : i32
    %dma_wait3A_492 = tpu.memref_slice %arg4[%add3A_415, %dma_wait3A_491] : memref<32768x256xf32, #tpu.memory_space<hbm>> -> memref<128x256xf32, #tpu.memory_space<hbm>>
    %dma_wait3A_493 = arith.constant 0 : i32
    %dma_wait3A_494 = arith.constant 0 : i32
    %dma_wait3A_495 = tpu.memref_slice %arg6[%dma_wait3A_481, %dma_wait3A_493, %dma_wait3A_494] : memref<3x128x256xf32, #tpu.memory_space<vmem>> -> memref<1x128x256xf32, #tpu.memory_space<vmem>>
    %dma_wait3A_496 = tpu.memref_squeeze %dma_wait3A_495 : memref<1x128x256xf32, #tpu.memory_space<vmem>> -> memref<128x256xf32, #tpu.memory_space<vmem>>
    tpu.wait_dma2 semaphore(%dma_wait3A_490 : memref<!tpu.dma_semaphore, #tpu.memory_space<semaphore_mem>>) src(%dma_wait3A_496 : memref<128x256xf32, #tpu.memory_space<vmem>>) dst(%dma_wait3A_492 : memref<128x256xf32, #tpu.memory_space<hbm>>)
    %dma_wait3A_497 = arith.constant 1 : i32
    %dma_wait3A_498 = arith.constant 1 : i32
    %dma_wait3A_499 = arith.constant 0 : i32
    %dma_wait3A_500 = arith.constant 0 : i32
    %dma_wait3A_501 = tpu.memref_slice %arg6[%dma_wait3A_497, %dma_wait3A_499, %dma_wait3A_500] : memref<3x128x256xf32, #tpu.memory_space<vmem>> -> memref<1x128x256xf32, #tpu.memory_space<vmem>>
    %dma_wait3A_502 = tpu.memref_squeeze %dma_wait3A_501 : memref<1x128x256xf32, #tpu.memory_space<vmem>> -> memref<128x256xf32, #tpu.memory_space<vmem>>
    %dma_wait3A_503 = arith.constant 0 : i32
    %dma_wait3A_504 = tpu.memref_slice %arg4[%add3A_448, %dma_wait3A_503] : memref<32768x256xf32, #tpu.memory_space<hbm>> -> memref<128x256xf32, #tpu.memory_space<hbm>>
    %dma_wait3A_505 = tpu.memref_slice %arg8[%dma_wait3A_498] : memref<3x!tpu.dma_semaphore, #tpu.memory_space<semaphore_mem>> -> memref<1x!tpu.dma_semaphore, #tpu.memory_space<semaphore_mem>>
    %dma_wait3A_506 = tpu.memref_squeeze %dma_wait3A_505 : memref<1x!tpu.dma_semaphore, #tpu.memory_space<semaphore_mem>> -> memref<!tpu.dma_semaphore, #tpu.memory_space<semaphore_mem>>
    %dma_wait3A_507 = arith.constant 0 : i32
    %dma_wait3A_508 = tpu.memref_slice %arg4[%add3A_448, %dma_wait3A_507] : memref<32768x256xf32, #tpu.memory_space<hbm>> -> memref<128x256xf32, #tpu.memory_space<hbm>>
    %dma_wait3A_509 = arith.constant 0 : i32
    %dma_wait3A_510 = arith.constant 0 : i32
    %dma_wait3A_511 = tpu.memref_slice %arg6[%dma_wait3A_497, %dma_wait3A_509, %dma_wait3A_510] : memref<3x128x256xf32, #tpu.memory_space<vmem>> -> memref<1x128x256xf32, #tpu.memory_space<vmem>>
    %dma_wait3A_512 = tpu.memref_squeeze %dma_wait3A_511 : memref<1x128x256xf32, #tpu.memory_space<vmem>> -> memref<128x256xf32, #tpu.memory_space<vmem>>
    tpu.wait_dma2 semaphore(%dma_wait3A_506 : memref<!tpu.dma_semaphore, #tpu.memory_space<semaphore_mem>>) src(%dma_wait3A_512 : memref<128x256xf32, #tpu.memory_space<vmem>>) dst(%dma_wait3A_508 : memref<128x256xf32, #tpu.memory_space<hbm>>)
    return
  }
}

</mosaic_0001>

<sc_bundles>
// kernel: _sc_gather_rows.3.cloned.1.call-start
scs
__scs_entry_jumppad:
0x0: {  	(pc) =	sbr.rel $0x88, $3  }
0x1: {  	(tag) =	ssettag $0x0;
	lr =	simm.s32 $0x1  }
0x2: {  	[smem:$0x3F9F] =	sst lr;
	_ =	strace $0xD0000000  }
0x3: {  	_ = 	snop  }
0x4: {  	_ = 	snop  }
0x5: {  	_ = 	snop  }
0x6: {  	_ = 	snop  }
0x7: {  	_ = 	snop  }
__scs_overlays_trampoline_lowered:
0x8: {  	[smem:$0x3FAE] =	sst s0  }
0x9: {  	[smem:$0x3FAF] =	sst s1  }
0xa: {  	[smem:$0x3FB0] =	sst s2  }
0xb: {  	[smem:$0x3FB1] =	sst s3  }
0xc: {  	[smem:$0x3FB2] =	sst s4  }
0xd: {  	[smem:$0x3FB3] =	sst s5  }
0xe: {  	[smem:$0x3FB4] =	sst s6  }
0xf: {  	[smem:$0x3FB5] =	sst s7  }
0x10: {  	[smem:$0x3FB6] =	sst s8  }
0x11: {  	[smem:$0x3FB7] =	sst s9;
	s0 =	simm.s32 @!p0 $0x0  }
0x12: {  	s1 =	sld [smem:$0x3F9D];
	s0 =	simm.s32 @p0 $0x1  }
0x13: {  	[smem:$0x3FB8] =	sst s0;
	s0 =	simm.s32 @!p1 $0x0  }
0x14: {  	s2 =	sld [smem:$0x3F9C];
	s0 =	simm.s32 @p1 $0x1  }
0x15: {  	[smem:$0x3FB9] =	sst s0;
	s0 =	simm.s32 @!p2 $0x0  }
0x16: {  	s3 =	sld [smem:$0x3FDB];
	s0 =	simm.s32 @p2 $0x1  }
0x17: {  	s4 =	simm.s32 $0x1BF5;
	[smem:$0x3FBB] =	sst s0  }
0x18: {  	s0 =	sld [smem:$0x3F9E];
	_ =	swait.ge [sflag:s4], $0x0  }
0x19: {  	s7 =	sld [smem:$0x3F9F]  }
0x1a: {  	s8 =	sadd.s32 $0xFFFFE003, lr  }
0x1b: {  	s9 =	sadd.s32 $0xFFFFFEF7, lr;
	s5 =	simm.s32 $0xFFFFFFFF;
	p2 =	slt.u32 s8, $0xFFFFF086  }
0x1c: {  	p1 =	slt.u32 s9, $0xF7A;
	s5 =	simm.s32 @!p2 $0x0  }
0x1d: {  	s5 =	simm.s32 @p1 $0x1;
	p0 =	seq.s32 s7, s2  }
0x1e: {  	s7 =	smul.u32 @!p0 $0xF7A, s2;
	p2 =	seq.s32 @!p0 s5, $0x0  }
0x1f: {  	s9 =	smul.u32 $0xF7A, s1;
	s8 =	simm.s32 @!p0 $0x1BF5;
	p2 =	por !p2, p0  }
0x20: {  	[sflag:s8] =	ssyncset.s32 @!p0 $0xFFFFF086;
	s6 =	sadd.s32 @!p0 s3, s7;
	s7 =	simm.s32 @!p0 $0x108  }
0x21: {  	s3 =	sadd.s32 s3, s9;
	s6 =	sadd.s32 @!p0 $0x88, s6;
	s7 =	simm.s32 @p2 $0x1082  }
0x22: {  	[simem:s7], [sflag:s8] =	dma.local @!p0 [hbm:s6], $0xF7A  }
0x23: {  	s9 =	sor.u32 $0xD0000000, s2;
	s6 =	simm.s32 $0x108;
	_ =	swait.ge @!p0 [sflag:s8], $0x0  }
0x24: {  	s3 =	sadd.s32 $0x88, s3;
	s6 =	simm.s32 @!p1 $0x1082;
	[sflag:s4] =	ssyncset.s32 $0xFFFFF086  }
0x25: {  	[simem:s6], [sflag:s4] =	dma.local [hbm:s3], $0xF7A  }
0x26: {  	[smem:$0x3F9F] =	sst s1;
	(tag) =	ssettag s2;
	_ =	strace s9  }
0x27: {  	s1 =	sld [smem:$0x3FAF]  }
0x28: {  	s2 =	sld [smem:$0x3FB0]  }
0x29: {  	s4 =	sld [smem:$0x3FB2]  }
0x2a: {  	p0 =	seq.s32 s5, $0x0;
	s5 =	sld [smem:$0x3FB3]  }
0x2b: {  	s6 =	sld [smem:$0x3FB4]  }
0x2c: {  	s7 =	sld [smem:$0x3FB5]  }
0x2d: {  	s3 =	simm.s32 $0x108;
	s8 =	sld [smem:$0x3FB6]  }
0x2e: {  	s3 =	simm.s32 @!p0 $0x1082;
	s9 =	sld [smem:$0x3FB7]  }
0x2f: {  	lr =	sadd.s32 s0, s3;
	s0 =	sld [smem:$0x3FAE]  }
0x30: {  	s3 =	sld [smem:$0x3FB1]  }
0x31: {  	[smem:$0x3FBA] =	sst s10  }
0x32: {  	s10 =	sld [smem:$0x3FB8];
	_ =	sdelay $0x3  }
0x33: {  	p0 =	seq.s32 s10, $0x1;
	s10 =	sld [smem:$0x3FBA];
	_ =	sdelay $0x3  }
0x34: {  	[smem:$0x3FBA] =	sst s10  }
0x35: {  	s10 =	sld [smem:$0x3FB9];
	_ =	sdelay $0x3  }
0x36: {  	p1 =	seq.s32 s10, $0x1;
	s10 =	sld [smem:$0x3FBA];
	_ =	sdelay $0x3  }
0x37: {  	[smem:$0x3FBA] =	sst s10  }
0x38: {  	s10 =	sld [smem:$0x3FBB]  }
0x39: {  	_ = 	snop;
	(pc) =	sbr.ind lr, $3  }
0x3a: {  	_ = 	snop  }
0x3b: {  	_ = 	snop  }
0x3c: {  	p2 =	seq.s32 s10, $0x1;
	s10 =	sld [smem:$0x3FBA]  }
0x3d: {  	_ =	shalt  }
0x3e: {  	_ =	shalt  }
0x3f: {  	_ =	shalt  }
0x40: {  	_ =	shalt  }
0x41: {  	_ =	shalt  }
0x42: {  	_ =	shalt  }
0x43: {  	_ =	shalt  }
0x44: {  	_ =	shalt  }
0x45: {  	_ =	shalt  }
0x46: {  	_ =	shalt  }
0x47: {  	_ =	shalt  }
0x48: {  	_ =	shalt  }
0x49: {  	_ =	shalt  }
0x4a: {  	_ =	shalt  }
0x4b: {  	_ =	shalt  }
0x4c: {  	_ =	shalt  }
0x4d: {  	_ =	shalt  }
0x4e: {  	_ =	shalt  }
0x4f: {  	_ =	shalt  }
0x50: {  	_ =	shalt  }
0x51: {  	_ =	shalt  }
0x52: {  	_ =	shalt  }
0x53: {  	_ =	shalt  }
0x54: {  	_ =	shalt  }
0x55: {  	_ =	shalt  }
0x56: {  	_ =	shalt  }
0x57: {  	_ =	shalt  }
0x58: {  	_ =	shalt  }
0x59: {  	_ =	shalt  }
0x5a: {  	_ =	shalt  }
0x5b: {  	_ =	shalt  }
0x5c: {  	_ =	shalt  }
0x5d: {  	_ =	shalt  }
0x5e: {  	_ =	shalt  }
0x5f: {  	_ =	shalt  }
0x60: {  	_ =	shalt  }
0x61: {  	_ =	shalt  }
0x62: {  	_ =	shalt  }
0x63: {  	_ =	shalt  }
0x64: {  	_ =	shalt  }
0x65: {  	_ =	shalt  }
0x66: {  	_ =	shalt  }
0x67: {  	_ =	shalt  }
0x68: {  	_ =	shalt  }
0x69: {  	_ =	shalt  }
0x6a: {  	_ =	shalt  }
0x6b: {  	_ =	shalt  }
0x6c: {  	_ =	shalt  }
0x6d: {  	_ =	shalt  }
0x6e: {  	_ =	shalt  }
0x6f: {  	_ =	shalt  }
0x70: {  	_ =	shalt  }
0x71: {  	_ =	shalt  }
0x72: {  	_ =	shalt  }
0x73: {  	_ =	shalt  }
0x74: {  	_ =	shalt  }
0x75: {  	_ =	shalt  }
0x76: {  	_ =	shalt  }
0x77: {  	_ =	shalt  }
0x78: {  	_ =	shalt  }
0x79: {  	_ =	shalt  }
0x7a: {  	_ =	shalt  }
0x7b: {  	_ =	shalt  }
0x7c: {  	_ =	shalt  }
0x7d: {  	_ =	shalt  }
0x7e: {  	_ =	shalt  }
0x7f: {  	_ =	shalt  }
0x80: {  	_ =	shalt  }
0x81: {  	_ =	shalt  }
0x82: {  	_ =	shalt  }
0x83: {  	_ =	shalt  }
0x84: {  	_ =	shalt  }
0x85: {  	_ =	shalt  }
0x86: {  	_ =	shalt  }
0x87: {  	_ =	shalt  }
.Lfunc_end0:
.L_simem_size_0:
called_computation_lowered:
.L_overlay_start_0:
0x88: {  	s2 =	sld [smem:$0x3FD9]  }
0x89: {  	s3 =	sld [smem:$0x3FFE];
	_ =	sdelay $0x1  }
0x8a: {  	s1 =	srdreg.scid  }
0x8b: {  	s0 =	sand.u32 $0x1, s1  }
0x8c: {  	s18 =	sshll.u32 s0, $0xA;
	s2 =	sadd.s32 s3, s2  }
0x8d: {  	s2 =	sadd.s32 s2, s18  }
0x8e: {  	[smem:$0x3FC6] =	sst s2  }
0x8f: {  	_ = 	snop  }
0x90: {  	s2 =	sld [smem:$0x3FC9]  }
0x91: {  	s19 =	sld [smem:$0x3FC8]  }
0x92: {  	s4 =	sld [smem:$0x3FD0];
	(tm) =	ssettm $0x1  }
0x93: {  	s5 =	sld [smem:$0x3FFB];
	_ =	sdelay $0x3  }
0x94: {  	_ =	strace s5  }
0x95: {  	s5 =	sld [smem:$0x3FFC];
	_ =	sdelay $0x3  }
0x96: {  	_ =	strace s5  }
0x97: {  	s5 =	sld [smem:$0x3FFD];
	_ =	sdelay $0x3  }
0x98: {  	_ =	strace s5  }
0x99: {  	_ =	strace $0x8FFFFFFF  }
0x9a: {  	s20 =	sld [smem:$0x3FDB];
	_ =	sdelay $0x1  }
0x9b: {  	s6 =	simm.s32 $_scs_section_size  }
0x9c: {  	s7 =	simm.s32 $_size__tile_overlayer_lowered;
	s8 =	simm.s32 $_tile_overlayer_lowered  }
0x9d: {  	s23 =	simm.s32 $0x1BFF;
	s22 =	sshll.u32 s8, $0x1;
	s5 =	sadd.s32 s6, s20  }
0x9e: {  	s9 =	simm.s32 $0x0;
	s21 =	sshll.u32 s7, $0x1;
	s7 =	sadd.s32 s22, s5  }
0x9f: {  	[timem:s9], [sflag:s23] =	dma.local [hbm:s7], s21  }
0xa0: {  	_ =	swait.ge [sflag:s23], s21  }
0xa1: {  	s6 =	ssub.s32 $0x0, s21;
	[sflag:s23] =	ssyncset.done $0x0  }
0xa2: {  	[sflag:s23] =	ssyncadd.s32 s6;
	_ =	sdelay $0x1  }
0xa3: {  	s24 =	simm.s32 $0x1B8B  }
0xa4: {  	_ =	swait.ge [sflag:s24], $0x1  }
0xa5: {  	[sflag:s24] =	ssyncset.done $0x0  }
0xa6: {  	s25 =	simm.s32 $0x1B8E;
	[sflag:s24] =	ssyncadd.s32 $0xFFFFFFFF  }
0xa7: {  	s26 =	simm.s32 $execute0_lowered;
	[smem:$0x3FD2] =	sst s25  }
0xa8: {  	s6 =	sshll.u32 s26, $0x1;
	_ =	strace $0x80000046;
	[dreg:$0x1] =	wrdreg $0xFFFFFFFF  }
0xa9: {  	s28 =	simm.s32 $_size_execute0_lowered;
	s5 =	sadd.s32 s5, s6;
	[dreg:$0x0] =	wrdreg $0x0  }
0xaa: {  	s6 =	sshll.u32 s28, $0x1;
	[dreg:$0x2] =	wrdreg s5  }
0xab: {  	[dreg:$0x3] =	wrdreg s6  }
0xac: {  	[dreg:$0x4] =	wrdreg $0xC0  }
0xad: {  	_ =	task [dreg:s9], $0x5FFFF  }
0xae: {  	[dreg:$0x1] =	wrdreg $0xFFFFFFFF  }
0xaf: {  	[dreg:$0x0] =	wrdreg $0x60  }
0xb0: {  	[dreg:$0x2] =	wrdreg s2  }
0xb1: {  	[dreg:$0x3] =	wrdreg s19  }
0xb2: {  	[dreg:$0x4] =	wrdreg s4  }
0xb3: {  	[dreg:$0x5] =	wrdreg $0x9  }
0xb4: {  	_ =	task.clear_ibuf [dreg:s9], $0x6FFFF;
	_ =	strace $0x90000046  }
0xb5: {  	s29 =	simm.s32 $0x9;
	_ =	strace $0x80000048  }
0xb6: {  	_ =	swait.ge [sflag:s29], $0x1  }
0xb7: {  	[sflag:s29] =	ssyncadd.s32 $0xFFFFFFFF  }
0xb8: {  	_ =	strace $0x90000048  }
0xb9: {  	_ =	sfence  }
0xba: {  	s30 =	sld [smem:$0x0];
	_ =	sdelay $0x2  }
0xbb: {  	s31 =	sshll.u32 s1, $0xD;
	s1 =	sshrl.u32 s1, $0x2  }
0xbc: {  	s3 =	sand.u32 $0x4000, s31;
	s1 =	sadd.s32 s1, s30  }
0xbd: {  	s0 =	sor.u32 s3, s0;
	s1 =	sshll.u32 s1, $0x11  }
0xbe: {  	s0 =	sor.u32 s1, s0  }
0xbf: {  	s0 =	sadd.s32 $0x8F2B, s0  }
0xc0: {  	[sflag:s0] =	ssyncadd.remote.s32 $0x1  }
0xc1: {  	_ =	sfence.sel $0xFFFF  }
0xc2: {  	[dreg:$0x0] =	wrdreg $0xFFFFFFFF;
	(pc) =	sbr.abs _section_cstart, $3  }
0xc3: {  	[dreg:$0x1] =	wrdreg $0xFFFFFFFF  }
0xc4: {  	_ =	task.clear_ibuf [dreg:s9], $0x2FFFF;
	_ =	strace $0x9FFFFFFF  }
0xc5: {  	(tm) =	ssettm $0x7FFFFFFF  }
tec
execute0_lowered:
.L_overlay_start_1:
0x0: {  	(tag) =	ssettag $0x1  }
0x1: {  	s1 =	rddreg [dreg:$0x0];
	s0 =	srdreg.scid  }
0x2: {  	s2 =	rddreg [dreg:$0x1];
	s3 =	stileid.u32  }
0x3: {  	s4 =	rddreg [dreg:$0x2];
	s28 =	simm.s32 $0x400;
	s13 =	simm.s32 $0x1  }
0x4: {  	s14 =	simm.s32 $0x4;
	s15 =	simm.s32 $0x2;
	s16 =	simm.s32 $0x5  }
0x5: {  	s17 =	simm.s32 $0x3;
	s18 =	simm.s32 $0x6;
	s29 =	simm.s32 $0x4400  }
0x6: {  	s30 =	simm.s32 $0x4C00;
	s31 =	simm.s32 $0x5400;
	s0 =	sand.u32 $0x1, s0  }
0x7: {  	s7 =	simm.s32 $0x10C00;
	s5 =	sshll.u32 s3, $0xB;
	s6 =	sshll.u32 s0, $0xA  }
0x8: {  	s10 =	simm.s32 $0x11400;
	s11 =	simm.s32 $0x11C00;
	s5 =	sor.u32 s6, s5  }
0x9: {  	s12 =	simm.s32 $0x12400;
	s3 =	simm.s32 $0x0;
	s6 =	sshrl.u32 s5, $0x3  }
0xa: {  	[smem:$0x7FF] =	sst s3;
	s5 =	sshll.u32 s5, $0x5;
	s2 =	sadd.s32 s2, s6  }
0xb: {  	_ =	strace $0x80000047;
	s5 =	sadd.s32 s4, s5;
	[dreg:$0x4] =	wrdreg s2  }
0xc: {  	s8 =	simm.s32 $0x14400;
	s19 =	sadd.s32 $0x1000, s5;
	[dreg:$0xc] =	wrdreg s5  }
0xd: {  	s9 =	simm.s32 $0x14C00;
	s20 =	sadd.s32 $0x2000, s5;
	[dreg:$0x5] =	wrdreg s19  }
0xe: {  	s0 =	ssub.s32 $0x2, s0;
	s21 =	sadd.s32 $0x3000, s5;
	[dreg:$0x6] =	wrdreg s20  }
0xf: {  	s24 =	sshrl.u32 s0, $0x1;
	s22 =	sadd.s32 $0x4000, s5;
	[dreg:$0x7] =	wrdreg s21  }
0x10: {  	s0 =	ssub.s32 s0, s24;
	s23 =	sadd.s32 $0x5000, s5;
	[dreg:$0x8] =	wrdreg s22  }
0x11: {  	s24 =	simm.s32 $0x16C00;
	s25 =	sadd.s32 $0x6000, s5;
	[dreg:$0x9] =	wrdreg s23  }
0x12: {  	s4 =	simm.s32 $0x13400;
	s26 =	sadd.s32 $0x7000, s5;
	[dreg:$0xa] =	wrdreg s25  }
0x13: {  	v2 =	vlaneseq.u32;
	s6 =	simm.s32 $0x13C00;
	s5 =	smax.u32 s0, $0x1;
	[dreg:$0xb] =	wrdreg s26  }
0x14: {  	vm0 =	vmmov $0xffff;
	v1 =	vshrl.u32 v2, $0x3;
	s23 =	simm.s32 $0x8400;
	s20 =	simm.s32 $0x15400;
	s21 =	simm.s32 $0x15C00  }
0x15: {  	v0 =	vand.u32 $0x7, v2;
	v2 =	vor.u32 $0x8, v2;
	v1 =	vmul.u32 $0x8, v1;
	s22 =	simm.s32 $0x16400;
	s25 =	simm.s32 $0x17400;
	s26 =	simm.s32 $0x17C00  }
.LBB2_1:
0x16: {  	s19 =	rddreg [dreg:$0x4];
	s0 =	simm.s32 $0x7  }
0x17: {  	[tilespmem:s3], [sflag:$0x7] =	stream.linear.gather [hbm4b:s19+s3], $0x400, $0x38;
	[tilespmem:$0x18400] =	vst v63  }
0x18: {  	_ =	swait.ge [sflag:s0], $0x400  }
0x19: {  	[sflag:s0] =	ssyncset.done $0x0  }
0x1a: {  	[sflag:s0] =	ssyncadd.s32 $0xFFFFFC00  }
0x1b: {  	v3 =	vld [tilespmem:$0x0];
	_ =	sdelay $0x4  }
0x1c: {  	v4 =	vshll.u32 v3, $0x1  }
0x1d: {  	v3 =	vand.u32 $0x7, v3;
	v4 =	vand.u32 $0xFFFFFFF0, v4  }
0x1e: {  	v3 =	vor.u32 v3, v4  }
0x1f: {  	v4 =	vperm.xlane v3, v0;
	_ =	sdelay $0x1  }
0x20: {  	v3 =	vperm.xlane v3, v2;
	v4 =	vadd.s32 v1, v4;
	_ =	sdelay $0x1  }
0x21: {  	v3 =	vadd.s32 v1, v3;
	_ =	sdelay $0x2  }
0x22: {  	[tilespmem:s28], [sflag:$0x1] =	stream.indirect_vreg.gather [hbm4b:s1+s3], $0x80, v4, vm0, $0xb8;
	[tilespmem:$0x18400] =	vst v63  }
0x23: {  	s0 =	simm.s32 $0xC00  }
0x24: {  	[tilespmem:s0], [sflag:$0x1] =	stream.indirect_vreg.gather [hbm4b:s1+s3], $0x80, v3, vm0, $0xb8;
	[tilespmem:$0x18400] =	vst v63  }
0x25: {  	v3 =	vld [tilespmem:$0x10];
	_ =	sdelay $0x4  }
0x26: {  	v57 =	vshll.u32 v3, $0x1  }
0x27: {  	v3 =	vand.u32 $0x7, v3;
	v4 =	vand.u32 $0xFFFFFFF0, v57  }
0x28: {  	v3 =	vor.u32 v3, v4  }
0x29: {  	v4 =	vperm.xlane v3, v0;
	_ =	sdelay $0x1  }
0x2a: {  	v3 =	vperm.xlane v3, v2;
	v4 =	vadd.s32 v1, v4;
	_ =	sdelay $0x1  }
0x2b: {  	v3 =	vadd.s32 v1, v3;
	_ =	sdelay $0x1  }
0x2c: {  	s2 =	simm.s32 $0x1400  }
0x2d: {  	[tilespmem:s2], [sflag:$0x1] =	stream.indirect_vreg.gather [hbm4b:s1+s3], $0x80, v4, vm0, $0xb8;
	[tilespmem:$0x18400] =	vst v63  }
0x2e: {  	s19 =	simm.s32 $0x1C00  }
0x2f: {  	[tilespmem:s19], [sflag:$0x1] =	stream.indirect_vreg.gather [hbm4b:s1+s3], $0x80, v3, vm0, $0xb8;
	[tilespmem:$0x18400] =	vst v63  }
0x30: {  	v3 =	vld [tilespmem:$0x20];
	_ =	sdelay $0x4  }
0x31: {  	v58 =	vshll.u32 v3, $0x1  }
0x32: {  	v3 =	vand.u32 $0x7, v3;
	v4 =	vand.u32 $0xFFFFFFF0, v58  }
0x33: {  	v3 =	vor.u32 v3, v4  }
0x34: {  	v4 =	vperm.xlane v3, v0;
	_ =	sdelay $0x1  }
0x35: {  	v3 =	vperm.xlane v3, v2;
	v4 =	vadd.s32 v1, v4;
	_ =	sdelay $0x1  }
0x36: {  	v3 =	vadd.s32 v1, v3;
	_ =	sdelay $0x1  }
0x37: {  	s2 =	simm.s32 $0x2400  }
0x38: {  	[tilespmem:s2], [sflag:$0x1] =	stream.indirect_vreg.gather [hbm4b:s1+s3], $0x80, v4, vm0, $0xb8;
	[tilespmem:$0x18400] =	vst v63  }
0x39: {  	s19 =	simm.s32 $0x2C00  }
0x3a: {  	[tilespmem:s19], [sflag:$0x1] =	stream.indirect_vreg.gather [hbm4b:s1+s3], $0x80, v3, vm0, $0xb8;
	[tilespmem:$0x18400] =	vst v63  }
0x3b: {  	v3 =	vld [tilespmem:$0x30];
	_ =	sdelay $0x4  }
0x3c: {  	v59 =	vshll.u32 v3, $0x1  }
0x3d: {  	v3 =	vand.u32 $0x7, v3;
	v4 =	vand.u32 $0xFFFFFFF0, v59  }
0x3e: {  	v3 =	vor.u32 v3, v4  }
0x3f: {  	v4 =	vperm.xlane v3, v0;
	_ =	sdelay $0x1  }
0x40: {  	v3 =	vperm.xlane v3, v2;
	v4 =	vadd.s32 v1, v4;
	_ =	sdelay $0x1  }
0x41: {  	v3 =	vadd.s32 v1, v3;
	_ =	sdelay $0x1  }
0x42: {  	s2 =	simm.s32 $0x3400  }
0x43: {  	[tilespmem:s2], [sflag:$0x1] =	stream.indirect_vreg.gather [hbm4b:s1+s3], $0x80, v4, vm0, $0xb8;
	[tilespmem:$0x18400] =	vst v63  }
0x44: {  	s19 =	simm.s32 $0x3C00  }
0x45: {  	[tilespmem:s19], [sflag:$0x1] =	stream.indirect_vreg.gather [hbm4b:s1+s3], $0x80, v3, vm0, $0xb8;
	[tilespmem:$0x18400] =	vst v63  }
0x46: {  	v3 =	vld [tilespmem:$0x40];
	_ =	sdelay $0x4  }
0x47: {  	v60 =	vshll.u32 v3, $0x1  }
0x48: {  	v3 =	vand.u32 $0x7, v3;
	v4 =	vand.u32 $0xFFFFFFF0, v60  }
0x49: {  	v3 =	vor.u32 v3, v4  }
0x4a: {  	v4 =	vperm.xlane v3, v0;
	_ =	sdelay $0x1  }
0x4b: {  	v3 =	vperm.xlane v3, v2;
	v4 =	vadd.s32 v1, v4;
	_ =	sdelay $0x1  }
0x4c: {  	v3 =	vadd.s32 v1, v3;
	_ =	sdelay $0x2  }
0x4d: {  	[tilespmem:s29], [sflag:$0x1] =	stream.indirect_vreg.gather [hbm4b:s1+s3], $0x80, v4, vm0, $0xb8;
	[tilespmem:$0x18400] =	vst v63  }
0x4e: {  	_ = 	snop  }
0x4f: {  	[tilespmem:s30], [sflag:$0x1] =	stream.indirect_vreg.gather [hbm4b:s1+s3], $0x80, v3, vm0, $0xb8;
	[tilespmem:$0x18400] =	vst v63  }
0x50: {  	v3 =	vld [tilespmem:$0x50];
	_ =	sdelay $0x4  }
0x51: {  	v61 =	vshll.u32 v3, $0x1  }
0x52: {  	v3 =	vand.u32 $0x7, v3;
	v4 =	vand.u32 $0xFFFFFFF0, v61  }
0x53: {  	v3 =	vor.u32 v3, v4  }
0x54: {  	v4 =	vperm.xlane v3, v0;
	_ =	sdelay $0x1  }
0x55: {  	v3 =	vperm.xlane v3, v2;
	v4 =	vadd.s32 v1, v4;
	_ =	sdelay $0x1  }
0x56: {  	v3 =	vadd.s32 v1, v3;
	_ =	sdelay $0x2  }
0x57: {  	[tilespmem:s31], [sflag:$0x1] =	stream.indirect_vreg.gather [hbm4b:s1+s3], $0x80, v4, vm0, $0xb8;
	[tilespmem:$0x18400] =	vst v63  }
0x58: {  	s2 =	simm.s32 $0x5C00  }
0x59: {  	[tilespmem:s2], [sflag:$0x1] =	stream.indirect_vreg.gather [hbm4b:s1+s3], $0x80, v3, vm0, $0xb8;
	[tilespmem:$0x18400] =	vst v63  }
0x5a: {  	v3 =	vld [tilespmem:$0x60];
	_ =	sdelay $0x4  }
0x5b: {  	v62 =	vshll.u32 v3, $0x1  }
0x5c: {  	v3 =	vand.u32 $0x7, v3;
	v4 =	vand.u32 $0xFFFFFFF0, v62  }
0x5d: {  	v3 =	vor.u32 v3, v4  }
0x5e: {  	v4 =	vperm.xlane v3, v0;
	_ =	sdelay $0x1  }
0x5f: {  	v3 =	vperm.xlane v3, v2;
	v4 =	vadd.s32 v1, v4;
	_ =	sdelay $0x1  }
0x60: {  	v3 =	vadd.s32 v1, v3;
	_ =	sdelay $0x1  }
0x61: {  	s19 =	simm.s32 $0x6400  }
0x62: {  	[tilespmem:s19], [sflag:$0x1] =	stream.indirect_vreg.gather [hbm4b:s1+s3], $0x80, v4, vm0, $0xb8;
	[tilespmem:$0x18400] =	vst v63  }
0x63: {  	s2 =	simm.s32 $0x6C00  }
0x64: {  	[tilespmem:s2], [sflag:$0x1] =	stream.indirect_vreg.gather [hbm4b:s1+s3], $0x80, v3, vm0, $0xb8;
	[tilespmem:$0x18400] =	vst v63  }
0x65: {  	v3 =	vld [tilespmem:$0x70];
	_ =	sdelay $0x4  }
0x66: {  	v63 =	vshll.u32 v3, $0x1  }
0x67: {  	v3 =	vand.u32 $0x7, v3;
	v4 =	vand.u32 $0xFFFFFFF0, v63  }
0x68: {  	v3 =	vor.u32 v3, v4  }
0x69: {  	v4 =	vperm.xlane v3, v0;
	_ =	sdelay $0x1  }
0x6a: {  	v3 =	vperm.xlane v3, v2;
	v4 =	vadd.s32 v1, v4;
	_ =	sdelay $0x1  }
0x6b: {  	v3 =	vadd.s32 v1, v3;
	_ =	sdelay $0x1  }
0x6c: {  	s19 =	simm.s32 $0x7400  }
0x6d: {  	[tilespmem:s19], [sflag:$0x1] =	stream.indirect_vreg.gather [hbm4b:s1+s3], $0x80, v4, vm0, $0xb8;
	[tilespmem:$0x18400] =	vst v63  }
0x6e: {  	s2 =	simm.s32 $0x7C00  }
0x6f: {  	[tilespmem:s2], [sflag:$0x1] =	stream.indirect_vreg.gather [hbm4b:s1+s3], $0x80, v3, vm0, $0xb8;
	[tilespmem:$0x18400] =	vst v63  }
0x70: {  	v3 =	vld [tilespmem:$0x80];
	_ =	sdelay $0x4  }
0x71: {  	v8 =	vshll.u32 v3, $0x1  }
0x72: {  	v3 =	vand.u32 $0x7, v3;
	v4 =	vand.u32 $0xFFFFFFF0, v8  }
0x73: {  	v3 =	vor.u32 v3, v4  }
0x74: {  	v4 =	vperm.xlane v3, v0;
	_ =	sdelay $0x1  }
0x75: {  	v3 =	vperm.xlane v3, v2;
	v4 =	vadd.s32 v1, v4;
	_ =	sdelay $0x1  }
0x76: {  	v3 =	vadd.s32 v1, v3;
	_ =	sdelay $0x2  }
0x77: {  	[tilespmem:s23], [sflag:$0x2] =	stream.indirect_vreg.gather [hbm4b:s1+s3], $0x80, v4, vm0, $0xb8;
	[tilespmem:$0x18400] =	vst v63  }
0x78: {  	s19 =	simm.s32 $0x8C00  }
0x79: {  	[tilespmem:s19], [sflag:$0x2] =	stream.indirect_vreg.gather [hbm4b:s1+s3], $0x80, v3, vm0, $0xb8;
	[tilespmem:$0x18400] =	vst v63  }
0x7a: {  	v3 =	vld [tilespmem:$0x90];
	_ =	sdelay $0x4  }
0x7b: {  	v9 =	vshll.u32 v3, $0x1  }
0x7c: {  	v3 =	vand.u32 $0x7, v3;
	v4 =	vand.u32 $0xFFFFFFF0, v9  }
0x7d: {  	v3 =	vor.u32 v3, v4  }
0x7e: {  	v4 =	vperm.xlane v3, v0;
	_ =	sdelay $0x1  }
0x7f: {  	v3 =	vperm.xlane v3, v2;
	v4 =	vadd.s32 v1, v4;
	_ =	sdelay $0x1  }
0x80: {  	v3 =	vadd.s32 v1, v3;
	_ =	sdelay $0x1  }
0x81: {  	s2 =	simm.s32 $0x9400  }
0x82: {  	[tilespmem:s2], [sflag:$0x2] =	stream.indirect_vreg.gather [hbm4b:s1+s3], $0x80, v4, vm0, $0xb8;
	[tilespmem:$0x18400] =	vst v63  }
0x83: {  	s19 =	simm.s32 $0x9C00  }
0x84: {  	[tilespmem:s19], [sflag:$0x2] =	stream.indirect_vreg.gather [hbm4b:s1+s3], $0x80, v3, vm0, $0xb8;
	[tilespmem:$0x18400] =	vst v63  }
0x85: {  	v3 =	vld [tilespmem:$0xA0];
	_ =	sdelay $0x4  }
0x86: {  	v10 =	vshll.u32 v3, $0x1  }
0x87: {  	v3 =	vand.u32 $0x7, v3;
	v4 =	vand.u32 $0xFFFFFFF0, v10  }
0x88: {  	v3 =	vor.u32 v3, v4  }
0x89: {  	v4 =	vperm.xlane v3, v0;
	_ =	sdelay $0x1  }
0x8a: {  	v3 =	vperm.xlane v3, v2;
	v4 =	vadd.s32 v1, v4;
	_ =	sdelay $0x1  }
0x8b: {  	v3 =	vadd.s32 v1, v3;
	_ =	sdelay $0x1  }
0x8c: {  	s2 =	simm.s32 $0xA400  }
0x8d: {  	[tilespmem:s2], [sflag:$0x2] =	stream.indirect_vreg.gather [hbm4b:s1+s3], $0x80, v4, vm0, $0xb8;
	[tilespmem:$0x18400] =	vst v63  }
0x8e: {  	s19 =	simm.s32 $0xAC00  }
0x8f: {  	[tilespmem:s19], [sflag:$0x2] =	stream.indirect_vreg.gather [hbm4b:s1+s3], $0x80, v3, vm0, $0xb8;
	[tilespmem:$0x18400] =	vst v63  }
0x90: {  	v3 =	vld [tilespmem:$0xB0];
	_ =	sdelay $0x4  }
0x91: {  	v11 =	vshll.u32 v3, $0x1  }
0x92: {  	v3 =	vand.u32 $0x7, v3;
	v4 =	vand.u32 $0xFFFFFFF0, v11  }
0x93: {  	v3 =	vor.u32 v3, v4  }
0x94: {  	v4 =	vperm.xlane v3, v0;
	_ =	sdelay $0x1  }
0x95: {  	v3 =	vperm.xlane v3, v2;
	v4 =	vadd.s32 v1, v4;
	_ =	sdelay $0x1  }
0x96: {  	v3 =	vadd.s32 v1, v3;
	_ =	sdelay $0x1  }
0x97: {  	s2 =	simm.s32 $0xB400  }
0x98: {  	[tilespmem:s2], [sflag:$0x2] =	stream.indirect_vreg.gather [hbm4b:s1+s3], $0x80, v4, vm0, $0xb8;
	[tilespmem:$0x18400] =	vst v63  }
0x99: {  	s19 =	simm.s32 $0xBC00  }
0x9a: {  	[tilespmem:s19], [sflag:$0x2] =	stream.indirect_vreg.gather [hbm4b:s1+s3], $0x80, v3, vm0, $0xb8;
	[tilespmem:$0x18400] =	vst v63  }
0x9b: {  	v3 =	vld [tilespmem:$0xC0];
	_ =	sdelay $0x4  }
0x9c: {  	v12 =	vshll.u32 v3, $0x1  }
0x9d: {  	v3 =	vand.u32 $0x7, v3;
	v4 =	vand.u32 $0xFFFFFFF0, v12  }
0x9e: {  	v3 =	vor.u32 v3, v4  }
0x9f: {  	v4 =	vperm.xlane v3, v0;
	_ =	sdelay $0x1  }
0xa0: {  	v3 =	vperm.xlane v3, v2;
	v4 =	vadd.s32 v1, v4;
	_ =	sdelay $0x1  }
0xa1: {  	v3 =	vadd.s32 v1, v3;
	_ =	sdelay $0x1  }
0xa2: {  	s2 =	simm.s32 $0xC400  }
0xa3: {  	[tilespmem:s2], [sflag:$0x2] =	stream.indirect_vreg.gather [hbm4b:s1+s3], $0x80, v4, vm0, $0xb8;
	[tilespmem:$0x18400] =	vst v63  }
0xa4: {  	s19 =	simm.s32 $0xCC00  }
0xa5: {  	[tilespmem:s19], [sflag:$0x2] =	stream.indirect_vreg.gather [hbm4b:s1+s3], $0x80, v3, vm0, $0xb8;
	[tilespmem:$0x18400] =	vst v63  }
0xa6: {  	v3 =	vld [tilespmem:$0xD0];
	_ =	sdelay $0x4  }
0xa7: {  	v13 =	vshll.u32 v3, $0x1  }
0xa8: {  	v3 =	vand.u32 $0x7, v3;
	v4 =	vand.u32 $0xFFFFFFF0, v13  }
0xa9: {  	v3 =	vor.u32 v3, v4  }
0xaa: {  	v4 =	vperm.xlane v3, v0;
	_ =	sdelay $0x1  }
0xab: {  	v3 =	vperm.xlane v3, v2;
	v4 =	vadd.s32 v1, v4;
	_ =	sdelay $0x1  }
0xac: {  	v3 =	vadd.s32 v1, v3;
	_ =	sdelay $0x1  }
0xad: {  	s2 =	simm.s32 $0xD400  }
0xae: {  	[tilespmem:s2], [sflag:$0x2] =	stream.indirect_vreg.gather [hbm4b:s1+s3], $0x80, v4, vm0, $0xb8;
	[tilespmem:$0x18400] =	vst v63  }
0xaf: {  	s19 =	simm.s32 $0xDC00  }
0xb0: {  	[tilespmem:s19], [sflag:$0x2] =	stream.indirect_vreg.gather [hbm4b:s1+s3], $0x80, v3, vm0, $0xb8;
	[tilespmem:$0x18400] =	vst v63  }
0xb1: {  	v3 =	vld [tilespmem:$0xE0];
	_ =	sdelay $0x4  }
0xb2: {  	v14 =	vshll.u32 v3, $0x1  }
0xb3: {  	v3 =	vand.u32 $0x7, v3;
	v4 =	vand.u32 $0xFFFFFFF0, v14  }
0xb4: {  	v3 =	vor.u32 v3, v4  }
0xb5: {  	v4 =	vperm.xlane v3, v0;
	_ =	sdelay $0x1  }
0xb6: {  	v3 =	vperm.xlane v3, v2;
	v4 =	vadd.s32 v1, v4;
	_ =	sdelay $0x1  }
0xb7: {  	v3 =	vadd.s32 v1, v3;
	_ =	sdelay $0x1  }
0xb8: {  	s2 =	simm.s32 $0xE400  }
0xb9: {  	[tilespmem:s2], [sflag:$0x2] =	stream.indirect_vreg.gather [hbm4b:s1+s3], $0x80, v4, vm0, $0xb8;
	[tilespmem:$0x18400] =	vst v63  }
0xba: {  	s19 =	simm.s32 $0xEC00  }
0xbb: {  	[tilespmem:s19], [sflag:$0x2] =	stream.indirect_vreg.gather [hbm4b:s1+s3], $0x80, v3, vm0, $0xb8;
	[tilespmem:$0x18400] =	vst v63  }
0xbc: {  	v3 =	vld [tilespmem:$0xF0];
	_ =	sdelay $0x4  }
0xbd: {  	v15 =	vshll.u32 v3, $0x1  }
0xbe: {  	v3 =	vand.u32 $0x7, v3;
	v4 =	vand.u32 $0xFFFFFFF0, v15  }
0xbf: {  	v3 =	vor.u32 v3, v4  }
0xc0: {  	v4 =	vperm.xlane v3, v0;
	_ =	sdelay $0x1  }
0xc1: {  	v3 =	vperm.xlane v3, v2;
	v4 =	vadd.s32 v1, v4;
	_ =	sdelay $0x1  }
0xc2: {  	v3 =	vadd.s32 v1, v3;
	_ =	sdelay $0x1  }
0xc3: {  	s2 =	simm.s32 $0xF400  }
0xc4: {  	[tilespmem:s2], [sflag:$0x2] =	stream.indirect_vreg.gather [hbm4b:s1+s3], $0x80, v4, vm0, $0xb8;
	[tilespmem:$0x18400] =	vst v63  }
0xc5: {  	s19 =	simm.s32 $0xFC00  }
0xc6: {  	[tilespmem:s19], [sflag:$0x2] =	stream.indirect_vreg.gather [hbm4b:s1+s3], $0x80, v3, vm0, $0xb8;
	[tilespmem:$0x18400] =	vst v63  }
0xc7: {  	v3 =	vld [tilespmem:$0x100];
	_ =	sdelay $0x4  }
0xc8: {  	v16 =	vshll.u32 v3, $0x1  }
0xc9: {  	v3 =	vand.u32 $0x7, v3;
	v4 =	vand.u32 $0xFFFFFFF0, v16  }
0xca: {  	v3 =	vor.u32 v3, v4  }
0xcb: {  	v4 =	vperm.xlane v3, v0;
	_ =	sdelay $0x1  }
0xcc: {  	v3 =	vperm.xlane v3, v2;
	v4 =	vadd.s32 v1, v4;
	_ =	sdelay $0x1  }
0xcd: {  	v3 =	vadd.s32 v1, v3;
	_ =	sdelay $0x1  }
0xce: {  	s0 =	simm.s32 $0x10400  }
0xcf: {  	[tilespmem:s0], [sflag:$0x3] =	stream.indirect_vreg.gather [hbm4b:s1+s3], $0x80, v4, vm0, $0xb8;
	[tilespmem:$0x18400] =	vst v63  }
0xd0: {  	_ = 	snop  }
0xd1: {  	[tilespmem:s7], [sflag:$0x3] =	stream.indirect_vreg.gather [hbm4b:s1+s3], $0x80, v3, vm0, $0xb8;
	[tilespmem:$0x18400] =	vst v63  }
0xd2: {  	v3 =	vld [tilespmem:$0x110];
	_ =	sdelay $0x4  }
0xd3: {  	v17 =	vshll.u32 v3, $0x1  }
0xd4: {  	v3 =	vand.u32 $0x7, v3;
	v4 =	vand.u32 $0xFFFFFFF0, v17  }
0xd5: {  	v3 =	vor.u32 v3, v4  }
0xd6: {  	v4 =	vperm.xlane v3, v0;
	_ =	sdelay $0x1  }
0xd7: {  	v3 =	vperm.xlane v3, v2;
	v4 =	vadd.s32 v1, v4;
	_ =	sdelay $0x1  }
0xd8: {  	v3 =	vadd.s32 v1, v3;
	_ =	sdelay $0x2  }
0xd9: {  	[tilespmem:s10], [sflag:$0x3] =	stream.indirect_vreg.gather [hbm4b:s1+s3], $0x80, v4, vm0, $0xb8;
	[tilespmem:$0x18400] =	vst v63  }
0xda: {  	_ = 	snop  }
0xdb: {  	[tilespmem:s11], [sflag:$0x3] =	stream.indirect_vreg.gather [hbm4b:s1+s3], $0x80, v3, vm0, $0xb8;
	[tilespmem:$0x18400] =	vst v63  }
0xdc: {  	v3 =	vld [tilespmem:$0x120];
	_ =	sdelay $0x4  }
0xdd: {  	v18 =	vshll.u32 v3, $0x1  }
0xde: {  	v3 =	vand.u32 $0x7, v3;
	v4 =	vand.u32 $0xFFFFFFF0, v18  }
0xdf: {  	v3 =	vor.u32 v3, v4  }
0xe0: {  	v4 =	vperm.xlane v3, v0;
	_ =	sdelay $0x1  }
0xe1: {  	v3 =	vperm.xlane v3, v2;
	v4 =	vadd.s32 v1, v4;
	_ =	sdelay $0x1  }
0xe2: {  	v3 =	vadd.s32 v1, v3;
	_ =	sdelay $0x2  }
0xe3: {  	[tilespmem:s12], [sflag:$0x3] =	stream.indirect_vreg.gather [hbm4b:s1+s3], $0x80, v4, vm0, $0xb8;
	[tilespmem:$0x18400] =	vst v63  }
0xe4: {  	s2 =	simm.s32 $0x12C00  }
0xe5: {  	[tilespmem:s2], [sflag:$0x3] =	stream.indirect_vreg.gather [hbm4b:s1+s3], $0x80, v3, vm0, $0xb8;
	[tilespmem:$0x18400] =	vst v63  }
0xe6: {  	v3 =	vld [tilespmem:$0x130];
	_ =	sdelay $0x4  }
0xe7: {  	v19 =	vshll.u32 v3, $0x1  }
0xe8: {  	v3 =	vand.u32 $0x7, v3;
	v4 =	vand.u32 $0xFFFFFFF0, v19  }
0xe9: {  	v3 =	vor.u32 v3, v4  }
0xea: {  	v4 =	vperm.xlane v3, v0;
	_ =	sdelay $0x1  }
0xeb: {  	v3 =	vperm.xlane v3, v2;
	v4 =	vadd.s32 v1, v4;
	_ =	sdelay $0x1  }
0xec: {  	v3 =	vadd.s32 v1, v3;
	_ =	sdelay $0x2  }
0xed: {  	[tilespmem:s4], [sflag:$0x3] =	stream.indirect_vreg.gather [hbm4b:s1+s3], $0x80, v4, vm0, $0xb8;
	[tilespmem:$0x18400] =	vst v63  }
0xee: {  	_ = 	snop  }
0xef: {  	[tilespmem:s6], [sflag:$0x3] =	stream.indirect_vreg.gather [hbm4b:s1+s3], $0x80, v3, vm0, $0xb8;
	[tilespmem:$0x18400] =	vst v63  }
0xf0: {  	v3 =	vld [tilespmem:$0x140];
	_ =	sdelay $0x4  }
0xf1: {  	v20 =	vshll.u32 v3, $0x1  }
0xf2: {  	v3 =	vand.u32 $0x7, v3;
	v4 =	vand.u32 $0xFFFFFFF0, v20  }
0xf3: {  	v3 =	vor.u32 v3, v4  }
0xf4: {  	v4 =	vperm.xlane v3, v0;
	_ =	sdelay $0x1  }
0xf5: {  	v3 =	vperm.xlane v3, v2;
	v4 =	vadd.s32 v1, v4;
	_ =	sdelay $0x1  }
0xf6: {  	v3 =	vadd.s32 v1, v3;
	_ =	sdelay $0x2  }
0xf7: {  	[tilespmem:s8], [sflag:$0x3] =	stream.indirect_vreg.gather [hbm4b:s1+s3], $0x80, v4, vm0, $0xb8;
	[tilespmem:$0x18400] =	vst v63  }
0xf8: {  	_ = 	snop  }
0xf9: {  	[tilespmem:s9], [sflag:$0x3] =	stream.indirect_vreg.gather [hbm4b:s1+s3], $0x80, v3, vm0, $0xb8;
	[tilespmem:$0x18400] =	vst v63  }
0xfa: {  	v3 =	vld [tilespmem:$0x150];
	_ =	sdelay $0x4  }
0xfb: {  	v21 =	vshll.u32 v3, $0x1  }
0xfc: {  	v3 =	vand.u32 $0x7, v3;
	v4 =	vand.u32 $0xFFFFFFF0, v21  }
0xfd: {  	v3 =	vor.u32 v3, v4  }
0xfe: {  	v4 =	vperm.xlane v3, v0;
	_ =	sdelay $0x1  }
0xff: {  	v3 =	vperm.xlane v3, v2;
	v4 =	vadd.s32 v1, v4;
	_ =	sdelay $0x1  }
0x100: {  	v3 =	vadd.s32 v1, v3;
	_ =	sdelay $0x2  }
0x101: {  	[tilespmem:s20], [sflag:$0x3] =	stream.indirect_vreg.gather [hbm4b:s1+s3], $0x80, v4, vm0, $0xb8;
	[tilespmem:$0x18400] =	vst v63  }
0x102: {  	_ = 	snop  }
0x103: {  	[tilespmem:s21], [sflag:$0x3] =	stream.indirect_vreg.gather [hbm4b:s1+s3], $0x80, v3, vm0, $0xb8;
	[tilespmem:$0x18400] =	vst v63  }
0x104: {  	v3 =	vld [tilespmem:$0x160];
	_ =	sdelay $0x4  }
0x105: {  	v22 =	vshll.u32 v3, $0x1  }
0x106: {  	v3 =	vand.u32 $0x7, v3;
	v4 =	vand.u32 $0xFFFFFFF0, v22  }
0x107: {  	v3 =	vor.u32 v3, v4  }
0x108: {  	v4 =	vperm.xlane v3, v0;
	_ =	sdelay $0x1  }
0x109: {  	v3 =	vperm.xlane v3, v2;
	v4 =	vadd.s32 v1, v4;
	_ =	sdelay $0x1  }
0x10a: {  	v3 =	vadd.s32 v1, v3;
	_ =	sdelay $0x2  }
0x10b: {  	[tilespmem:s22], [sflag:$0x3] =	stream.indirect_vreg.gather [hbm4b:s1+s3], $0x80, v4, vm0, $0xb8;
	[tilespmem:$0x18400] =	vst v63  }
0x10c: {  	_ = 	snop  }
0x10d: {  	[tilespmem:s24], [sflag:$0x3] =	stream.indirect_vreg.gather [hbm4b:s1+s3], $0x80, v3, vm0, $0xb8;
	[tilespmem:$0x18400] =	vst v63  }
0x10e: {  	v3 =	vld [tilespmem:$0x170];
	_ =	sdelay $0x4  }
0x10f: {  	v23 =	vshll.u32 v3, $0x1  }
0x110: {  	v3 =	vand.u32 $0x7, v3;
	v4 =	vand.u32 $0xFFFFFFF0, v23  }
0x111: {  	v3 =	vor.u32 v3, v4  }
0x112: {  	v4 =	vperm.xlane v3, v0;
	_ =	sdelay $0x1  }
0x113: {  	v3 =	vperm.xlane v3, v2;
	v4 =	vadd.s32 v1, v4;
	_ =	sdelay $0x1  }
0x114: {  	v3 =	vadd.s32 v1, v3;
	_ =	sdelay $0x2  }
0x115: {  	[tilespmem:s25], [sflag:$0x3] =	stream.indirect_vreg.gather [hbm4b:s1+s3], $0x80, v4, vm0, $0xb8;
	[tilespmem:$0x18400] =	vst v63  }
0x116: {  	_ = 	snop  }
0x117: {  	[tilespmem:s26], [sflag:$0x3] =	stream.indirect_vreg.gather [hbm4b:s1+s3], $0x80, v3, vm0, $0xb8;
	[tilespmem:$0x18400] =	vst v63  }
0x118: {  	_ =	swait.ge [sflag:s13], $0x8000  }
0x119: {  	[sflag:s13] =	ssyncset.done $0x0  }
0x11a: {  	s19 =	rddreg [dreg:$0xc];
	[sflag:s13] =	ssyncadd.s32 $0xFFFF8000  }
0x11b: {  	[hbm4b:s19+s3] =	stream.linear.scatter [tilespmem:s28], [sflag:$0x4], $0x8000, $0x38;
	[tilespmem:$0x18400] =	vst v63  }
0x11c: {  	_ =	swait.ge [sflag:s14], $0x8000  }
0x11d: {  	[sflag:s14] =	ssyncset.done $0x0  }
0x11e: {  	[sflag:s14] =	ssyncadd.s32 $0xFFFF8000  }
0x11f: {  	v3 =	vld [tilespmem:$0x180];
	_ =	sdelay $0x4  }
0x120: {  	v24 =	vshll.u32 v3, $0x1  }
0x121: {  	v3 =	vand.u32 $0x7, v3;
	v4 =	vand.u32 $0xFFFFFFF0, v24  }
0x122: {  	v3 =	vor.u32 v3, v4  }
0x123: {  	v4 =	vperm.xlane v3, v0;
	_ =	sdelay $0x1  }
0x124: {  	v3 =	vperm.xlane v3, v2;
	v4 =	vadd.s32 v1, v4;
	_ =	sdelay $0x1  }
0x125: {  	v3 =	vadd.s32 v1, v3;
	_ =	sdelay $0x2  }
0x126: {  	[tilespmem:s28], [sflag:$0x1] =	stream.indirect_vreg.gather [hbm4b:s1+s3], $0x80, v4, vm0, $0xb8;
	[tilespmem:$0x18400] =	vst v63  }
0x127: {  	s19 =	simm.s32 $0xC00  }
0x128: {  	[tilespmem:s19], [sflag:$0x1] =	stream.indirect_vreg.gather [hbm4b:s1+s3], $0x80, v3, vm0, $0xb8;
	[tilespmem:$0x18400] =	vst v63  }
0x129: {  	v3 =	vld [tilespmem:$0x190];
	_ =	sdelay $0x4  }
0x12a: {  	v25 =	vshll.u32 v3, $0x1  }
0x12b: {  	v3 =	vand.u32 $0x7, v3;
	v4 =	vand.u32 $0xFFFFFFF0, v25  }
0x12c: {  	v3 =	vor.u32 v3, v4  }
0x12d: {  	v4 =	vperm.xlane v3, v0;
	_ =	sdelay $0x1  }
0x12e: {  	v3 =	vperm.xlane v3, v2;
	v4 =	vadd.s32 v1, v4;
	_ =	sdelay $0x1  }
0x12f: {  	v3 =	vadd.s32 v1, v3;
	_ =	sdelay $0x1  }
0x130: {  	s19 =	simm.s32 $0x1400  }
0x131: {  	[tilespmem:s19], [sflag:$0x1] =	stream.indirect_vreg.gather [hbm4b:s1+s3], $0x80, v4, vm0, $0xb8;
	[tilespmem:$0x18400] =	vst v63  }
0x132: {  	s19 =	simm.s32 $0x1C00  }
0x133: {  	[tilespmem:s19], [sflag:$0x1] =	stream.indirect_vreg.gather [hbm4b:s1+s3], $0x80, v3, vm0, $0xb8;
	[tilespmem:$0x18400] =	vst v63  }
0x134: {  	v3 =	vld [tilespmem:$0x1A0];
	_ =	sdelay $0x4  }
0x135: {  	v26 =	vshll.u32 v3, $0x1  }
0x136: {  	v3 =	vand.u32 $0x7, v3;
	v4 =	vand.u32 $0xFFFFFFF0, v26  }
0x137: {  	v3 =	vor.u32 v3, v4  }
0x138: {  	v4 =	vperm.xlane v3, v0;
	_ =	sdelay $0x1  }
0x139: {  	v3 =	vperm.xlane v3, v2;
	v4 =	vadd.s32 v1, v4;
	_ =	sdelay $0x1  }
0x13a: {  	v3 =	vadd.s32 v1, v3;
	_ =	sdelay $0x1  }
0x13b: {  	s19 =	simm.s32 $0x2400  }
0x13c: {  	[tilespmem:s19], [sflag:$0x1] =	stream.indirect_vreg.gather [hbm4b:s1+s3], $0x80, v4, vm0, $0xb8;
	[tilespmem:$0x18400] =	vst v63  }
0x13d: {  	s19 =	simm.s32 $0x2C00  }
0x13e: {  	[tilespmem:s19], [sflag:$0x1] =	stream.indirect_vreg.gather [hbm4b:s1+s3], $0x80, v3, vm0, $0xb8;
	[tilespmem:$0x18400] =	vst v63  }
0x13f: {  	v3 =	vld [tilespmem:$0x1B0];
	_ =	sdelay $0x4  }
0x140: {  	v27 =	vshll.u32 v3, $0x1  }
0x141: {  	v3 =	vand.u32 $0x7, v3;
	v4 =	vand.u32 $0xFFFFFFF0, v27  }
0x142: {  	v3 =	vor.u32 v3, v4  }
0x143: {  	v4 =	vperm.xlane v3, v0;
	_ =	sdelay $0x1  }
0x144: {  	v3 =	vperm.xlane v3, v2;
	v4 =	vadd.s32 v1, v4;
	_ =	sdelay $0x1  }
0x145: {  	v3 =	vadd.s32 v1, v3;
	_ =	sdelay $0x1  }
0x146: {  	s19 =	simm.s32 $0x3400  }
0x147: {  	[tilespmem:s19], [sflag:$0x1] =	stream.indirect_vreg.gather [hbm4b:s1+s3], $0x80, v4, vm0, $0xb8;
	[tilespmem:$0x18400] =	vst v63  }
0x148: {  	s19 =	simm.s32 $0x3C00  }
0x149: {  	[tilespmem:s19], [sflag:$0x1] =	stream.indirect_vreg.gather [hbm4b:s1+s3], $0x80, v3, vm0, $0xb8;
	[tilespmem:$0x18400] =	vst v63  }
0x14a: {  	v3 =	vld [tilespmem:$0x1C0];
	_ =	sdelay $0x4  }
0x14b: {  	v28 =	vshll.u32 v3, $0x1  }
0x14c: {  	v3 =	vand.u32 $0x7, v3;
	v4 =	vand.u32 $0xFFFFFFF0, v28  }
0x14d: {  	v3 =	vor.u32 v3, v4  }
0x14e: {  	v4 =	vperm.xlane v3, v0;
	_ =	sdelay $0x1  }
0x14f: {  	v3 =	vperm.xlane v3, v2;
	v4 =	vadd.s32 v1, v4;
	_ =	sdelay $0x1  }
0x150: {  	v3 =	vadd.s32 v1, v3;
	_ =	sdelay $0x2  }
0x151: {  	[tilespmem:s29], [sflag:$0x1] =	stream.indirect_vreg.gather [hbm4b:s1+s3], $0x80, v4, vm0, $0xb8;
	[tilespmem:$0x18400] =	vst v63  }
0x152: {  	_ = 	snop  }
0x153: {  	[tilespmem:s30], [sflag:$0x1] =	stream.indirect_vreg.gather [hbm4b:s1+s3], $0x80, v3, vm0, $0xb8;
	[tilespmem:$0x18400] =	vst v63  }
0x154: {  	v3 =	vld [tilespmem:$0x1D0];
	_ =	sdelay $0x4  }
0x155: {  	v29 =	vshll.u32 v3, $0x1  }
0x156: {  	v3 =	vand.u32 $0x7, v3;
	v4 =	vand.u32 $0xFFFFFFF0, v29  }
0x157: {  	v3 =	vor.u32 v3, v4  }
0x158: {  	v4 =	vperm.xlane v3, v0;
	_ =	sdelay $0x1  }
0x159: {  	v3 =	vperm.xlane v3, v2;
	v4 =	vadd.s32 v1, v4;
	_ =	sdelay $0x1  }
0x15a: {  	v3 =	vadd.s32 v1, v3;
	_ =	sdelay $0x2  }
0x15b: {  	[tilespmem:s31], [sflag:$0x1] =	stream.indirect_vreg.gather [hbm4b:s1+s3], $0x80, v4, vm0, $0xb8;
	[tilespmem:$0x18400] =	vst v63  }
0x15c: {  	s19 =	simm.s32 $0x5C00  }
0x15d: {  	[tilespmem:s19], [sflag:$0x1] =	stream.indirect_vreg.gather [hbm4b:s1+s3], $0x80, v3, vm0, $0xb8;
	[tilespmem:$0x18400] =	vst v63  }
0x15e: {  	v3 =	vld [tilespmem:$0x1E0];
	_ =	sdelay $0x4  }
0x15f: {  	v30 =	vshll.u32 v3, $0x1  }
0x160: {  	v3 =	vand.u32 $0x7, v3;
	v4 =	vand.u32 $0xFFFFFFF0, v30  }
0x161: {  	v3 =	vor.u32 v3, v4  }
0x162: {  	v4 =	vperm.xlane v3, v0;
	_ =	sdelay $0x1  }
0x163: {  	v3 =	vperm.xlane v3, v2;
	v4 =	vadd.s32 v1, v4;
	_ =	sdelay $0x1  }
0x164: {  	v3 =	vadd.s32 v1, v3;
	_ =	sdelay $0x1  }
0x165: {  	s19 =	simm.s32 $0x6400  }
0x166: {  	[tilespmem:s19], [sflag:$0x1] =	stream.indirect_vreg.gather [hbm4b:s1+s3], $0x80, v4, vm0, $0xb8;
	[tilespmem:$0x18400] =	vst v63  }
0x167: {  	s19 =	simm.s32 $0x6C00  }
0x168: {  	[tilespmem:s19], [sflag:$0x1] =	stream.indirect_vreg.gather [hbm4b:s1+s3], $0x80, v3, vm0, $0xb8;
	[tilespmem:$0x18400] =	vst v63  }
0x169: {  	v3 =	vld [tilespmem:$0x1F0];
	_ =	sdelay $0x4  }
0x16a: {  	v31 =	vshll.u32 v3, $0x1  }
0x16b: {  	v3 =	vand.u32 $0x7, v3;
	v4 =	vand.u32 $0xFFFFFFF0, v31  }
0x16c: {  	v3 =	vor.u32 v3, v4  }
0x16d: {  	v4 =	vperm.xlane v3, v0;
	_ =	sdelay $0x1  }
0x16e: {  	v3 =	vperm.xlane v3, v2;
	v4 =	vadd.s32 v1, v4;
	_ =	sdelay $0x1  }
0x16f: {  	v3 =	vadd.s32 v1, v3;
	_ =	sdelay $0x1  }
0x170: {  	s19 =	simm.s32 $0x7400  }
0x171: {  	[tilespmem:s19], [sflag:$0x1] =	stream.indirect_vreg.gather [hbm4b:s1+s3], $0x80, v4, vm0, $0xb8;
	[tilespmem:$0x18400] =	vst v63  }
0x172: {  	s19 =	simm.s32 $0x7C00  }
0x173: {  	[tilespmem:s19], [sflag:$0x1] =	stream.indirect_vreg.gather [hbm4b:s1+s3], $0x80, v3, vm0, $0xb8;
	[tilespmem:$0x18400] =	vst v63  }
0x174: {  	_ =	swait.ge [sflag:s15], $0x8000  }
0x175: {  	[sflag:s15] =	ssyncset.done $0x0  }
0x176: {  	s19 =	rddreg [dreg:$0x5];
	[sflag:s15] =	ssyncadd.s32 $0xFFFF8000  }
0x177: {  	[hbm4b:s19+s3] =	stream.linear.scatter [tilespmem:s23], [sflag:$0x5], $0x8000, $0x38;
	[tilespmem:$0x18400] =	vst v63  }
0x178: {  	_ =	swait.ge [sflag:s16], $0x8000  }
0x179: {  	[sflag:s16] =	ssyncset.done $0x0  }
0x17a: {  	[sflag:s16] =	ssyncadd.s32 $0xFFFF8000  }
0x17b: {  	v3 =	vld [tilespmem:$0x200];
	_ =	sdelay $0x4  }
0x17c: {  	v32 =	vshll.u32 v3, $0x1  }
0x17d: {  	v3 =	vand.u32 $0x7, v3;
	v4 =	vand.u32 $0xFFFFFFF0, v32  }
0x17e: {  	v3 =	vor.u32 v3, v4  }
0x17f: {  	v4 =	vperm.xlane v3, v0;
	_ =	sdelay $0x1  }
0x180: {  	v3 =	vperm.xlane v3, v2;
	v4 =	vadd.s32 v1, v4;
	_ =	sdelay $0x1  }
0x181: {  	v3 =	vadd.s32 v1, v3;
	_ =	sdelay $0x2  }
0x182: {  	[tilespmem:s23], [sflag:$0x2] =	stream.indirect_vreg.gather [hbm4b:s1+s3], $0x80, v4, vm0, $0xb8;
	[tilespmem:$0x18400] =	vst v63  }
0x183: {  	s19 =	simm.s32 $0x8C00  }
0x184: {  	[tilespmem:s19], [sflag:$0x2] =	stream.indirect_vreg.gather [hbm4b:s1+s3], $0x80, v3, vm0, $0xb8;
	[tilespmem:$0x18400] =	vst v63  }
0x185: {  	v3 =	vld [tilespmem:$0x210];
	_ =	sdelay $0x4  }
0x186: {  	v33 =	vshll.u32 v3, $0x1  }
0x187: {  	v3 =	vand.u32 $0x7, v3;
	v4 =	vand.u32 $0xFFFFFFF0, v33  }
0x188: {  	v3 =	vor.u32 v3, v4  }
0x189: {  	v4 =	vperm.xlane v3, v0;
	_ =	sdelay $0x1  }
0x18a: {  	v3 =	vperm.xlane v3, v2;
	v4 =	vadd.s32 v1, v4;
	_ =	sdelay $0x1  }
0x18b: {  	v3 =	vadd.s32 v1, v3;
	_ =	sdelay $0x1  }
0x18c: {  	s19 =	simm.s32 $0x9400  }
0x18d: {  	[tilespmem:s19], [sflag:$0x2] =	stream.indirect_vreg.gather [hbm4b:s1+s3], $0x80, v4, vm0, $0xb8;
	[tilespmem:$0x18400] =	vst v63  }
0x18e: {  	s19 =	simm.s32 $0x9C00  }
0x18f: {  	[tilespmem:s19], [sflag:$0x2] =	stream.indirect_vreg.gather [hbm4b:s1+s3], $0x80, v3, vm0, $0xb8;
	[tilespmem:$0x18400] =	vst v63  }
0x190: {  	v3 =	vld [tilespmem:$0x220];
	_ =	sdelay $0x4  }
0x191: {  	v34 =	vshll.u32 v3, $0x1  }
0x192: {  	v3 =	vand.u32 $0x7, v3;
	v4 =	vand.u32 $0xFFFFFFF0, v34  }
0x193: {  	v3 =	vor.u32 v3, v4  }
0x194: {  	v4 =	vperm.xlane v3, v0;
	_ =	sdelay $0x1  }
0x195: {  	v3 =	vperm.xlane v3, v2;
	v4 =	vadd.s32 v1, v4;
	_ =	sdelay $0x1  }
0x196: {  	v3 =	vadd.s32 v1, v3;
	_ =	sdelay $0x1  }
0x197: {  	s19 =	simm.s32 $0xA400  }
0x198: {  	[tilespmem:s19], [sflag:$0x2] =	stream.indirect_vreg.gather [hbm4b:s1+s3], $0x80, v4, vm0, $0xb8;
	[tilespmem:$0x18400] =	vst v63  }
0x199: {  	s19 =	simm.s32 $0xAC00  }
0x19a: {  	[tilespmem:s19], [sflag:$0x2] =	stream.indirect_vreg.gather [hbm4b:s1+s3], $0x80, v3, vm0, $0xb8;
	[tilespmem:$0x18400] =	vst v63  }
0x19b: {  	v3 =	vld [tilespmem:$0x230];
	_ =	sdelay $0x4  }
0x19c: {  	v35 =	vshll.u32 v3, $0x1  }
0x19d: {  	v3 =	vand.u32 $0x7, v3;
	v4 =	vand.u32 $0xFFFFFFF0, v35  }
0x19e: {  	v3 =	vor.u32 v3, v4  }
0x19f: {  	v4 =	vperm.xlane v3, v0;
	_ =	sdelay $0x1  }
0x1a0: {  	v3 =	vperm.xlane v3, v2;
	v4 =	vadd.s32 v1, v4;
	_ =	sdelay $0x1  }
0x1a1: {  	v3 =	vadd.s32 v1, v3;
	_ =	sdelay $0x1  }
0x1a2: {  	s19 =	simm.s32 $0xB400  }
0x1a3: {  	[tilespmem:s19], [sflag:$0x2] =	stream.indirect_vreg.gather [hbm4b:s1+s3], $0x80, v4, vm0, $0xb8;
	[tilespmem:$0x18400] =	vst v63  }
0x1a4: {  	s19 =	simm.s32 $0xBC00  }
0x1a5: {  	[tilespmem:s19], [sflag:$0x2] =	stream.indirect_vreg.gather [hbm4b:s1+s3], $0x80, v3, vm0, $0xb8;
	[tilespmem:$0x18400] =	vst v63  }
0x1a6: {  	v3 =	vld [tilespmem:$0x240];
	_ =	sdelay $0x4  }
0x1a7: {  	v36 =	vshll.u32 v3, $0x1  }
0x1a8: {  	v3 =	vand.u32 $0x7, v3;
	v4 =	vand.u32 $0xFFFFFFF0, v36  }
0x1a9: {  	v3 =	vor.u32 v3, v4  }
0x1aa: {  	v4 =	vperm.xlane v3, v0;
	_ =	sdelay $0x1  }
0x1ab: {  	v3 =	vperm.xlane v3, v2;
	v4 =	vadd.s32 v1, v4;
	_ =	sdelay $0x1  }
0x1ac: {  	v3 =	vadd.s32 v1, v3;
	_ =	sdelay $0x1  }
0x1ad: {  	s19 =	simm.s32 $0xC400  }
0x1ae: {  	[tilespmem:s19], [sflag:$0x2] =	stream.indirect_vreg.gather [hbm4b:s1+s3], $0x80, v4, vm0, $0xb8;
	[tilespmem:$0x18400] =	vst v63  }
0x1af: {  	s19 =	simm.s32 $0xCC00  }
0x1b0: {  	[tilespmem:s19], [sflag:$0x2] =	stream.indirect_vreg.gather [hbm4b:s1+s3], $0x80, v3, vm0, $0xb8;
	[tilespmem:$0x18400] =	vst v63  }
0x1b1: {  	v3 =	vld [tilespmem:$0x250];
	_ =	sdelay $0x4  }
0x1b2: {  	v37 =	vshll.u32 v3, $0x1  }
0x1b3: {  	v3 =	vand.u32 $0x7, v3;
	v4 =	vand.u32 $0xFFFFFFF0, v37  }
0x1b4: {  	v3 =	vor.u32 v3, v4  }
0x1b5: {  	v4 =	vperm.xlane v3, v0;
	_ =	sdelay $0x1  }
0x1b6: {  	v3 =	vperm.xlane v3, v2;
	v4 =	vadd.s32 v1, v4;
	_ =	sdelay $0x1  }
0x1b7: {  	v3 =	vadd.s32 v1, v3;
	_ =	sdelay $0x1  }
0x1b8: {  	s19 =	simm.s32 $0xD400  }
0x1b9: {  	[tilespmem:s19], [sflag:$0x2] =	stream.indirect_vreg.gather [hbm4b:s1+s3], $0x80, v4, vm0, $0xb8;
	[tilespmem:$0x18400] =	vst v63  }
0x1ba: {  	s19 =	simm.s32 $0xDC00  }
0x1bb: {  	[tilespmem:s19], [sflag:$0x2] =	stream.indirect_vreg.gather [hbm4b:s1+s3], $0x80, v3, vm0, $0xb8;
	[tilespmem:$0x18400] =	vst v63  }
0x1bc: {  	v3 =	vld [tilespmem:$0x260];
	_ =	sdelay $0x4  }
0x1bd: {  	v38 =	vshll.u32 v3, $0x1  }
0x1be: {  	v3 =	vand.u32 $0x7, v3;
	v4 =	vand.u32 $0xFFFFFFF0, v38  }
0x1bf: {  	v3 =	vor.u32 v3, v4  }
0x1c0: {  	v4 =	vperm.xlane v3, v0;
	_ =	sdelay $0x1  }
0x1c1: {  	v3 =	vperm.xlane v3, v2;
	v4 =	vadd.s32 v1, v4;
	_ =	sdelay $0x1  }
0x1c2: {  	v3 =	vadd.s32 v1, v3;
	_ =	sdelay $0x1  }
0x1c3: {  	s19 =	simm.s32 $0xE400  }
0x1c4: {  	[tilespmem:s19], [sflag:$0x2] =	stream.indirect_vreg.gather [hbm4b:s1+s3], $0x80, v4, vm0, $0xb8;
	[tilespmem:$0x18400] =	vst v63  }
0x1c5: {  	s19 =	simm.s32 $0xEC00  }
0x1c6: {  	[tilespmem:s19], [sflag:$0x2] =	stream.indirect_vreg.gather [hbm4b:s1+s3], $0x80, v3, vm0, $0xb8;
	[tilespmem:$0x18400] =	vst v63  }
0x1c7: {  	v3 =	vld [tilespmem:$0x270];
	_ =	sdelay $0x4  }
0x1c8: {  	v39 =	vshll.u32 v3, $0x1  }
0x1c9: {  	v3 =	vand.u32 $0x7, v3;
	v4 =	vand.u32 $0xFFFFFFF0, v39  }
0x1ca: {  	v3 =	vor.u32 v3, v4  }
0x1cb: {  	v4 =	vperm.xlane v3, v0;
	_ =	sdelay $0x1  }
0x1cc: {  	v3 =	vperm.xlane v3, v2;
	v4 =	vadd.s32 v1, v4;
	_ =	sdelay $0x1  }
0x1cd: {  	v3 =	vadd.s32 v1, v3;
	_ =	sdelay $0x1  }
0x1ce: {  	s19 =	simm.s32 $0xF400  }
0x1cf: {  	[tilespmem:s19], [sflag:$0x2] =	stream.indirect_vreg.gather [hbm4b:s1+s3], $0x80, v4, vm0, $0xb8;
	[tilespmem:$0x18400] =	vst v63  }
0x1d0: {  	s19 =	simm.s32 $0xFC00  }
0x1d1: {  	[tilespmem:s19], [sflag:$0x2] =	stream.indirect_vreg.gather [hbm4b:s1+s3], $0x80, v3, vm0, $0xb8;
	[tilespmem:$0x18400] =	vst v63  }
0x1d2: {  	_ =	swait.ge [sflag:s17], $0x8000  }
0x1d3: {  	[sflag:s17] =	ssyncset.done $0x0  }
0x1d4: {  	s19 =	rddreg [dreg:$0x6];
	[sflag:s17] =	ssyncadd.s32 $0xFFFF8000  }
0x1d5: {  	[hbm4b:s19+s3] =	stream.linear.scatter [tilespmem:s0], [sflag:$0x6], $0x8000, $0x38;
	[tilespmem:$0x18400] =	vst v63  }
0x1d6: {  	_ =	swait.ge [sflag:s18], $0x8000  }
0x1d7: {  	[sflag:s18] =	ssyncset.done $0x0  }
0x1d8: {  	[sflag:s18] =	ssyncadd.s32 $0xFFFF8000  }
0x1d9: {  	v3 =	vld [tilespmem:$0x280];
	_ =	sdelay $0x4  }
0x1da: {  	v40 =	vshll.u32 v3, $0x1  }
0x1db: {  	v3 =	vand.u32 $0x7, v3;
	v4 =	vand.u32 $0xFFFFFFF0, v40  }
0x1dc: {  	v3 =	vor.u32 v3, v4  }
0x1dd: {  	v4 =	vperm.xlane v3, v0;
	_ =	sdelay $0x1  }
0x1de: {  	v3 =	vperm.xlane v3, v2;
	v4 =	vadd.s32 v1, v4;
	_ =	sdelay $0x1  }
0x1df: {  	v3 =	vadd.s32 v1, v3;
	_ =	sdelay $0x2  }
0x1e0: {  	[tilespmem:s0], [sflag:$0x3] =	stream.indirect_vreg.gather [hbm4b:s1+s3], $0x80, v4, vm0, $0xb8;
	[tilespmem:$0x18400] =	vst v63  }
0x1e1: {  	_ = 	snop  }
0x1e2: {  	[tilespmem:s7], [sflag:$0x3] =	stream.indirect_vreg.gather [hbm4b:s1+s3], $0x80, v3, vm0, $0xb8;
	[tilespmem:$0x18400] =	vst v63  }
0x1e3: {  	v3 =	vld [tilespmem:$0x290];
	_ =	sdelay $0x4  }
0x1e4: {  	v41 =	vshll.u32 v3, $0x1  }
0x1e5: {  	v3 =	vand.u32 $0x7, v3;
	v4 =	vand.u32 $0xFFFFFFF0, v41  }
0x1e6: {  	v3 =	vor.u32 v3, v4  }
0x1e7: {  	v4 =	vperm.xlane v3, v0;
	_ =	sdelay $0x1  }
0x1e8: {  	v3 =	vperm.xlane v3, v2;
	v4 =	vadd.s32 v1, v4;
	_ =	sdelay $0x1  }
0x1e9: {  	v3 =	vadd.s32 v1, v3;
	_ =	sdelay $0x2  }
0x1ea: {  	[tilespmem:s10], [sflag:$0x3] =	stream.indirect_vreg.gather [hbm4b:s1+s3], $0x80, v4, vm0, $0xb8;
	[tilespmem:$0x18400] =	vst v63  }
0x1eb: {  	_ = 	snop  }
0x1ec: {  	[tilespmem:s11], [sflag:$0x3] =	stream.indirect_vreg.gather [hbm4b:s1+s3], $0x80, v3, vm0, $0xb8;
	[tilespmem:$0x18400] =	vst v63  }
0x1ed: {  	v3 =	vld [tilespmem:$0x2A0];
	_ =	sdelay $0x4  }
0x1ee: {  	v42 =	vshll.u32 v3, $0x1  }
0x1ef: {  	v3 =	vand.u32 $0x7, v3;
	v4 =	vand.u32 $0xFFFFFFF0, v42  }
0x1f0: {  	v3 =	vor.u32 v3, v4  }
0x1f1: {  	v4 =	vperm.xlane v3, v0;
	_ =	sdelay $0x1  }
0x1f2: {  	v3 =	vperm.xlane v3, v2;
	v4 =	vadd.s32 v1, v4;
	_ =	sdelay $0x1  }
0x1f3: {  	v3 =	vadd.s32 v1, v3;
	_ =	sdelay $0x2  }
0x1f4: {  	[tilespmem:s12], [sflag:$0x3] =	stream.indirect_vreg.gather [hbm4b:s1+s3], $0x80, v4, vm0, $0xb8;
	[tilespmem:$0x18400] =	vst v63  }
0x1f5: {  	_ = 	snop  }
0x1f6: {  	[tilespmem:s2], [sflag:$0x3] =	stream.indirect_vreg.gather [hbm4b:s1+s3], $0x80, v3, vm0, $0xb8;
	[tilespmem:$0x18400] =	vst v63  }
0x1f7: {  	v3 =	vld [tilespmem:$0x2B0];
	_ =	sdelay $0x4  }
0x1f8: {  	v43 =	vshll.u32 v3, $0x1  }
0x1f9: {  	v3 =	vand.u32 $0x7, v3;
	v4 =	vand.u32 $0xFFFFFFF0, v43  }
0x1fa: {  	v3 =	vor.u32 v3, v4  }
0x1fb: {  	v4 =	vperm.xlane v3, v0;
	_ =	sdelay $0x1  }
0x1fc: {  	v3 =	vperm.xlane v3, v2;
	v4 =	vadd.s32 v1, v4;
	_ =	sdelay $0x1  }
0x1fd: {  	v3 =	vadd.s32 v1, v3;
	_ =	sdelay $0x2  }
0x1fe: {  	[tilespmem:s4], [sflag:$0x3] =	stream.indirect_vreg.gather [hbm4b:s1+s3], $0x80, v4, vm0, $0xb8;
	[tilespmem:$0x18400] =	vst v63  }
0x1ff: {  	_ = 	snop  }
0x200: {  	[tilespmem:s6], [sflag:$0x3] =	stream.indirect_vreg.gather [hbm4b:s1+s3], $0x80, v3, vm0, $0xb8;
	[tilespmem:$0x18400] =	vst v63  }
0x201: {  	v3 =	vld [tilespmem:$0x2C0];
	_ =	sdelay $0x4  }
0x202: {  	v44 =	vshll.u32 v3, $0x1  }
0x203: {  	v3 =	vand.u32 $0x7, v3;
	v4 =	vand.u32 $0xFFFFFFF0, v44  }
0x204: {  	v3 =	vor.u32 v3, v4  }
0x205: {  	v4 =	vperm.xlane v3, v0;
	_ =	sdelay $0x1  }
0x206: {  	v3 =	vperm.xlane v3, v2;
	v4 =	vadd.s32 v1, v4;
	_ =	sdelay $0x1  }
0x207: {  	v3 =	vadd.s32 v1, v3;
	_ =	sdelay $0x2  }
0x208: {  	[tilespmem:s8], [sflag:$0x3] =	stream.indirect_vreg.gather [hbm4b:s1+s3], $0x80, v4, vm0, $0xb8;
	[tilespmem:$0x18400] =	vst v63  }
0x209: {  	_ = 	snop  }
0x20a: {  	[tilespmem:s9], [sflag:$0x3] =	stream.indirect_vreg.gather [hbm4b:s1+s3], $0x80, v3, vm0, $0xb8;
	[tilespmem:$0x18400] =	vst v63  }
0x20b: {  	v3 =	vld [tilespmem:$0x2D0];
	_ =	sdelay $0x4  }
0x20c: {  	v45 =	vshll.u32 v3, $0x1  }
0x20d: {  	v3 =	vand.u32 $0x7, v3;
	v4 =	vand.u32 $0xFFFFFFF0, v45  }
0x20e: {  	v3 =	vor.u32 v3, v4  }
0x20f: {  	v4 =	vperm.xlane v3, v0;
	_ =	sdelay $0x1  }
0x210: {  	v3 =	vperm.xlane v3, v2;
	v4 =	vadd.s32 v1, v4;
	_ =	sdelay $0x1  }
0x211: {  	v3 =	vadd.s32 v1, v3;
	_ =	sdelay $0x2  }
0x212: {  	[tilespmem:s20], [sflag:$0x3] =	stream.indirect_vreg.gather [hbm4b:s1+s3], $0x80, v4, vm0, $0xb8;
	[tilespmem:$0x18400] =	vst v63  }
0x213: {  	_ = 	snop  }
0x214: {  	[tilespmem:s21], [sflag:$0x3] =	stream.indirect_vreg.gather [hbm4b:s1+s3], $0x80, v3, vm0, $0xb8;
	[tilespmem:$0x18400] =	vst v63  }
0x215: {  	v3 =	vld [tilespmem:$0x2E0];
	_ =	sdelay $0x4  }
0x216: {  	v46 =	vshll.u32 v3, $0x1  }
0x217: {  	v3 =	vand.u32 $0x7, v3;
	v4 =	vand.u32 $0xFFFFFFF0, v46  }
0x218: {  	v3 =	vor.u32 v3, v4  }
0x219: {  	v4 =	vperm.xlane v3, v0;
	_ =	sdelay $0x1  }
0x21a: {  	v3 =	vperm.xlane v3, v2;
	v4 =	vadd.s32 v1, v4;
	_ =	sdelay $0x1  }
0x21b: {  	v3 =	vadd.s32 v1, v3;
	_ =	sdelay $0x2  }
0x21c: {  	[tilespmem:s22], [sflag:$0x3] =	stream.indirect_vreg.gather [hbm4b:s1+s3], $0x80, v4, vm0, $0xb8;
	[tilespmem:$0x18400] =	vst v63  }
0x21d: {  	_ = 	snop  }
0x21e: {  	[tilespmem:s24], [sflag:$0x3] =	stream.indirect_vreg.gather [hbm4b:s1+s3], $0x80, v3, vm0, $0xb8;
	[tilespmem:$0x18400] =	vst v63  }
0x21f: {  	v3 =	vld [tilespmem:$0x2F0];
	_ =	sdelay $0x4  }
0x220: {  	v47 =	vshll.u32 v3, $0x1  }
0x221: {  	v3 =	vand.u32 $0x7, v3;
	v4 =	vand.u32 $0xFFFFFFF0, v47  }
0x222: {  	v3 =	vor.u32 v3, v4  }
0x223: {  	v4 =	vperm.xlane v3, v0;
	_ =	sdelay $0x1  }
0x224: {  	v3 =	vperm.xlane v3, v2;
	v4 =	vadd.s32 v1, v4;
	_ =	sdelay $0x1  }
0x225: {  	v3 =	vadd.s32 v1, v3;
	_ =	sdelay $0x2  }
0x226: {  	[tilespmem:s25], [sflag:$0x3] =	stream.indirect_vreg.gather [hbm4b:s1+s3], $0x80, v4, vm0, $0xb8;
	[tilespmem:$0x18400] =	vst v63  }
0x227: {  	_ = 	snop  }
0x228: {  	[tilespmem:s26], [sflag:$0x3] =	stream.indirect_vreg.gather [hbm4b:s1+s3], $0x80, v3, vm0, $0xb8;
	[tilespmem:$0x18400] =	vst v63  }
0x229: {  	_ =	swait.ge [sflag:s13], $0x8000  }
0x22a: {  	[sflag:s13] =	ssyncset.done $0x0  }
0x22b: {  	s2 =	rddreg [dreg:$0x7];
	[sflag:s13] =	ssyncadd.s32 $0xFFFF8000  }
0x22c: {  	[hbm4b:s2+s3] =	stream.linear.scatter [tilespmem:s28], [sflag:$0x4], $0x8000, $0x38;
	[tilespmem:$0x18400] =	vst v63  }
0x22d: {  	_ =	swait.ge [sflag:s14], $0x8000  }
0x22e: {  	[sflag:s14] =	ssyncset.done $0x0  }
0x22f: {  	[sflag:s14] =	ssyncadd.s32 $0xFFFF8000  }
0x230: {  	v3 =	vld [tilespmem:$0x300];
	_ =	sdelay $0x4  }
0x231: {  	v48 =	vshll.u32 v3, $0x1  }
0x232: {  	v3 =	vand.u32 $0x7, v3;
	v4 =	vand.u32 $0xFFFFFFF0, v48  }
0x233: {  	v3 =	vor.u32 v3, v4  }
0x234: {  	v4 =	vperm.xlane v3, v0;
	_ =	sdelay $0x1  }
0x235: {  	v3 =	vperm.xlane v3, v2;
	v4 =	vadd.s32 v1, v4;
	_ =	sdelay $0x1  }
0x236: {  	v3 =	vadd.s32 v1, v3;
	_ =	sdelay $0x2  }
0x237: {  	[tilespmem:s28], [sflag:$0x1] =	stream.indirect_vreg.gather [hbm4b:s1+s3], $0x80, v4, vm0, $0xb8;
	[tilespmem:$0x18400] =	vst v63  }
0x238: {  	s19 =	simm.s32 $0xC00  }
0x239: {  	[tilespmem:s19], [sflag:$0x1] =	stream.indirect_vreg.gather [hbm4b:s1+s3], $0x80, v3, vm0, $0xb8;
	[tilespmem:$0x18400] =	vst v63  }
0x23a: {  	v3 =	vld [tilespmem:$0x310];
	_ =	sdelay $0x4  }
0x23b: {  	v49 =	vshll.u32 v3, $0x1  }
0x23c: {  	v3 =	vand.u32 $0x7, v3;
	v4 =	vand.u32 $0xFFFFFFF0, v49  }
0x23d: {  	v3 =	vor.u32 v3, v4  }
0x23e: {  	v4 =	vperm.xlane v3, v0;
	_ =	sdelay $0x1  }
0x23f: {  	v3 =	vperm.xlane v3, v2;
	v4 =	vadd.s32 v1, v4;
	_ =	sdelay $0x1  }
0x240: {  	v3 =	vadd.s32 v1, v3;
	_ =	sdelay $0x1  }
0x241: {  	s19 =	simm.s32 $0x1400  }
0x242: {  	[tilespmem:s19], [sflag:$0x1] =	stream.indirect_vreg.gather [hbm4b:s1+s3], $0x80, v4, vm0, $0xb8;
	[tilespmem:$0x18400] =	vst v63  }
0x243: {  	s19 =	simm.s32 $0x1C00  }
0x244: {  	[tilespmem:s19], [sflag:$0x1] =	stream.indirect_vreg.gather [hbm4b:s1+s3], $0x80, v3, vm0, $0xb8;
	[tilespmem:$0x18400] =	vst v63  }
0x245: {  	v3 =	vld [tilespmem:$0x320];
	_ =	sdelay $0x4  }
0x246: {  	v50 =	vshll.u32 v3, $0x1  }
0x247: {  	v3 =	vand.u32 $0x7, v3;
	v4 =	vand.u32 $0xFFFFFFF0, v50  }
0x248: {  	v3 =	vor.u32 v3, v4  }
0x249: {  	v4 =	vperm.xlane v3, v0;
	_ =	sdelay $0x1  }
0x24a: {  	v3 =	vperm.xlane v3, v2;
	v4 =	vadd.s32 v1, v4;
	_ =	sdelay $0x1  }
0x24b: {  	v3 =	vadd.s32 v1, v3;
	_ =	sdelay $0x1  }
0x24c: {  	s19 =	simm.s32 $0x2400  }
0x24d: {  	[tilespmem:s19], [sflag:$0x1] =	stream.indirect_vreg.gather [hbm4b:s1+s3], $0x80, v4, vm0, $0xb8;
	[tilespmem:$0x18400] =	vst v63  }
0x24e: {  	s19 =	simm.s32 $0x2C00  }
0x24f: {  	[tilespmem:s19], [sflag:$0x1] =	stream.indirect_vreg.gather [hbm4b:s1+s3], $0x80, v3, vm0, $0xb8;
	[tilespmem:$0x18400] =	vst v63  }
0x250: {  	v3 =	vld [tilespmem:$0x330];
	_ =	sdelay $0x4  }
0x251: {  	v51 =	vshll.u32 v3, $0x1  }
0x252: {  	v3 =	vand.u32 $0x7, v3;
	v4 =	vand.u32 $0xFFFFFFF0, v51  }
0x253: {  	v3 =	vor.u32 v3, v4  }
0x254: {  	v4 =	vperm.xlane v3, v0;
	_ =	sdelay $0x1  }
0x255: {  	v3 =	vperm.xlane v3, v2;
	v4 =	vadd.s32 v1, v4;
	_ =	sdelay $0x1  }
0x256: {  	v3 =	vadd.s32 v1, v3;
	_ =	sdelay $0x1  }
0x257: {  	s19 =	simm.s32 $0x3400  }
0x258: {  	[tilespmem:s19], [sflag:$0x1] =	stream.indirect_vreg.gather [hbm4b:s1+s3], $0x80, v4, vm0, $0xb8;
	[tilespmem:$0x18400] =	vst v63  }
0x259: {  	s19 =	simm.s32 $0x3C00  }
0x25a: {  	[tilespmem:s19], [sflag:$0x1] =	stream.indirect_vreg.gather [hbm4b:s1+s3], $0x80, v3, vm0, $0xb8;
	[tilespmem:$0x18400] =	vst v63  }
0x25b: {  	v3 =	vld [tilespmem:$0x340];
	_ =	sdelay $0x4  }
0x25c: {  	v52 =	vshll.u32 v3, $0x1  }
0x25d: {  	v3 =	vand.u32 $0x7, v3;
	v4 =	vand.u32 $0xFFFFFFF0, v52  }
0x25e: {  	v3 =	vor.u32 v3, v4  }
0x25f: {  	v4 =	vperm.xlane v3, v0;
	_ =	sdelay $0x1  }
0x260: {  	v3 =	vperm.xlane v3, v2;
	v4 =	vadd.s32 v1, v4;
	_ =	sdelay $0x1  }
0x261: {  	v3 =	vadd.s32 v1, v3;
	_ =	sdelay $0x2  }
0x262: {  	[tilespmem:s29], [sflag:$0x1] =	stream.indirect_vreg.gather [hbm4b:s1+s3], $0x80, v4, vm0, $0xb8;
	[tilespmem:$0x18400] =	vst v63  }
0x263: {  	_ = 	snop  }
0x264: {  	[tilespmem:s30], [sflag:$0x1] =	stream.indirect_vreg.gather [hbm4b:s1+s3], $0x80, v3, vm0, $0xb8;
	[tilespmem:$0x18400] =	vst v63  }
0x265: {  	v3 =	vld [tilespmem:$0x350];
	_ =	sdelay $0x4  }
0x266: {  	v53 =	vshll.u32 v3, $0x1  }
0x267: {  	v3 =	vand.u32 $0x7, v3;
	v4 =	vand.u32 $0xFFFFFFF0, v53  }
0x268: {  	v3 =	vor.u32 v3, v4  }
0x269: {  	v4 =	vperm.xlane v3, v0;
	_ =	sdelay $0x1  }
0x26a: {  	v3 =	vperm.xlane v3, v2;
	v4 =	vadd.s32 v1, v4;
	_ =	sdelay $0x1  }
0x26b: {  	v3 =	vadd.s32 v1, v3;
	_ =	sdelay $0x2  }
0x26c: {  	[tilespmem:s31], [sflag:$0x1] =	stream.indirect_vreg.gather [hbm4b:s1+s3], $0x80, v4, vm0, $0xb8;
	[tilespmem:$0x18400] =	vst v63  }
0x26d: {  	s19 =	simm.s32 $0x5C00  }
0x26e: {  	[tilespmem:s19], [sflag:$0x1] =	stream.indirect_vreg.gather [hbm4b:s1+s3], $0x80, v3, vm0, $0xb8;
	[tilespmem:$0x18400] =	vst v63  }
0x26f: {  	v3 =	vld [tilespmem:$0x360];
	_ =	sdelay $0x4  }
0x270: {  	v54 =	vshll.u32 v3, $0x1  }
0x271: {  	v3 =	vand.u32 $0x7, v3;
	v4 =	vand.u32 $0xFFFFFFF0, v54  }
0x272: {  	v3 =	vor.u32 v3, v4  }
0x273: {  	v4 =	vperm.xlane v3, v0;
	_ =	sdelay $0x1  }
0x274: {  	v3 =	vperm.xlane v3, v2;
	v4 =	vadd.s32 v1, v4;
	_ =	sdelay $0x1  }
0x275: {  	v3 =	vadd.s32 v1, v3;
	_ =	sdelay $0x1  }
0x276: {  	s19 =	simm.s32 $0x6400  }
0x277: {  	[tilespmem:s19], [sflag:$0x1] =	stream.indirect_vreg.gather [hbm4b:s1+s3], $0x80, v4, vm0, $0xb8;
	[tilespmem:$0x18400] =	vst v63  }
0x278: {  	s19 =	simm.s32 $0x6C00  }
0x279: {  	[tilespmem:s19], [sflag:$0x1] =	stream.indirect_vreg.gather [hbm4b:s1+s3], $0x80, v3, vm0, $0xb8;
	[tilespmem:$0x18400] =	vst v63  }
0x27a: {  	v3 =	vld [tilespmem:$0x370];
	_ =	sdelay $0x4  }
0x27b: {  	v55 =	vshll.u32 v3, $0x1  }
0x27c: {  	v3 =	vand.u32 $0x7, v3;
	v4 =	vand.u32 $0xFFFFFFF0, v55  }
0x27d: {  	v3 =	vor.u32 v3, v4  }
0x27e: {  	v4 =	vperm.xlane v3, v0;
	_ =	sdelay $0x1  }
0x27f: {  	v3 =	vperm.xlane v3, v2;
	v4 =	vadd.s32 v1, v4;
	_ =	sdelay $0x1  }
0x280: {  	v3 =	vadd.s32 v1, v3;
	_ =	sdelay $0x1  }
0x281: {  	s19 =	simm.s32 $0x7400  }
0x282: {  	[tilespmem:s19], [sflag:$0x1] =	stream.indirect_vreg.gather [hbm4b:s1+s3], $0x80, v4, vm0, $0xb8;
	[tilespmem:$0x18400] =	vst v63  }
0x283: {  	s19 =	simm.s32 $0x7C00  }
0x284: {  	[tilespmem:s19], [sflag:$0x1] =	stream.indirect_vreg.gather [hbm4b:s1+s3], $0x80, v3, vm0, $0xb8;
	[tilespmem:$0x18400] =	vst v63  }
0x285: {  	_ =	swait.ge [sflag:s15], $0x8000  }
0x286: {  	[sflag:s15] =	ssyncset.done $0x0  }
0x287: {  	s2 =	rddreg [dreg:$0x8];
	[sflag:s15] =	ssyncadd.s32 $0xFFFF8000  }
0x288: {  	[hbm4b:s2+s3] =	stream.linear.scatter [tilespmem:s23], [sflag:$0x5], $0x8000, $0x38;
	[tilespmem:$0x18400] =	vst v63  }
0x289: {  	_ =	swait.ge [sflag:s16], $0x8000  }
0x28a: {  	[sflag:s16] =	ssyncset.done $0x0  }
0x28b: {  	[sflag:s16] =	ssyncadd.s32 $0xFFFF8000  }
0x28c: {  	v3 =	vld [tilespmem:$0x380];
	_ =	sdelay $0x4  }
0x28d: {  	v56 =	vshll.u32 v3, $0x1  }
0x28e: {  	v3 =	vand.u32 $0x7, v3;
	v4 =	vand.u32 $0xFFFFFFF0, v56  }
0x28f: {  	v3 =	vor.u32 v3, v4  }
0x290: {  	v4 =	vperm.xlane v3, v0;
	_ =	sdelay $0x1  }
0x291: {  	v3 =	vperm.xlane v3, v2;
	v4 =	vadd.s32 v1, v4;
	_ =	sdelay $0x1  }
0x292: {  	v3 =	vadd.s32 v1, v3;
	_ =	sdelay $0x2  }
0x293: {  	[tilespmem:s23], [sflag:$0x2] =	stream.indirect_vreg.gather [hbm4b:s1+s3], $0x80, v4, vm0, $0xb8;
	[tilespmem:$0x18400] =	vst v63  }
0x294: {  	s19 =	simm.s32 $0x8C00  }
0x295: {  	[tilespmem:s19], [sflag:$0x2] =	stream.indirect_vreg.gather [hbm4b:s1+s3], $0x80, v3, vm0, $0xb8;
	[tilespmem:$0x18400] =	vst v63  }
0x296: {  	v3 =	vld [tilespmem:$0x390];
	_ =	sdelay $0x4  }
0x297: {  	v57 =	vshll.u32 v3, $0x1  }
0x298: {  	v3 =	vand.u32 $0x7, v3;
	v4 =	vand.u32 $0xFFFFFFF0, v57  }
0x299: {  	v3 =	vor.u32 v3, v4  }
0x29a: {  	v4 =	vperm.xlane v3, v0;
	_ =	sdelay $0x1  }
0x29b: {  	v3 =	vperm.xlane v3, v2;
	v4 =	vadd.s32 v1, v4;
	_ =	sdelay $0x1  }
0x29c: {  	v3 =	vadd.s32 v1, v3;
	_ =	sdelay $0x1  }
0x29d: {  	s19 =	simm.s32 $0x9400  }
0x29e: {  	[tilespmem:s19], [sflag:$0x2] =	stream.indirect_vreg.gather [hbm4b:s1+s3], $0x80, v4, vm0, $0xb8;
	[tilespmem:$0x18400] =	vst v63  }
0x29f: {  	s19 =	simm.s32 $0x9C00  }
0x2a0: {  	[tilespmem:s19], [sflag:$0x2] =	stream.indirect_vreg.gather [hbm4b:s1+s3], $0x80, v3, vm0, $0xb8;
	[tilespmem:$0x18400] =	vst v63  }
0x2a1: {  	v3 =	vld [tilespmem:$0x3A0];
	_ =	sdelay $0x4  }
0x2a2: {  	v58 =	vshll.u32 v3, $0x1  }
0x2a3: {  	v3 =	vand.u32 $0x7, v3;
	v4 =	vand.u32 $0xFFFFFFF0, v58  }
0x2a4: {  	v3 =	vor.u32 v3, v4  }
0x2a5: {  	v4 =	vperm.xlane v3, v0;
	_ =	sdelay $0x1  }
0x2a6: {  	v3 =	vperm.xlane v3, v2;
	v4 =	vadd.s32 v1, v4;
	_ =	sdelay $0x1  }
0x2a7: {  	v3 =	vadd.s32 v1, v3;
	_ =	sdelay $0x1  }
0x2a8: {  	s19 =	simm.s32 $0xA400  }
0x2a9: {  	[tilespmem:s19], [sflag:$0x2] =	stream.indirect_vreg.gather [hbm4b:s1+s3], $0x80, v4, vm0, $0xb8;
	[tilespmem:$0x18400] =	vst v63  }
0x2aa: {  	s19 =	simm.s32 $0xAC00  }
0x2ab: {  	[tilespmem:s19], [sflag:$0x2] =	stream.indirect_vreg.gather [hbm4b:s1+s3], $0x80, v3, vm0, $0xb8;
	[tilespmem:$0x18400] =	vst v63  }
0x2ac: {  	v3 =	vld [tilespmem:$0x3B0];
	_ =	sdelay $0x4  }
0x2ad: {  	v59 =	vshll.u32 v3, $0x1  }
0x2ae: {  	v3 =	vand.u32 $0x7, v3;
	v4 =	vand.u32 $0xFFFFFFF0, v59  }
0x2af: {  	v3 =	vor.u32 v3, v4  }
0x2b0: {  	v4 =	vperm.xlane v3, v0;
	_ =	sdelay $0x1  }
0x2b1: {  	v3 =	vperm.xlane v3, v2;
	v4 =	vadd.s32 v1, v4;
	_ =	sdelay $0x1  }
0x2b2: {  	v3 =	vadd.s32 v1, v3;
	_ =	sdelay $0x1  }
0x2b3: {  	s19 =	simm.s32 $0xB400  }
0x2b4: {  	[tilespmem:s19], [sflag:$0x2] =	stream.indirect_vreg.gather [hbm4b:s1+s3], $0x80, v4, vm0, $0xb8;
	[tilespmem:$0x18400] =	vst v63  }
0x2b5: {  	s19 =	simm.s32 $0xBC00  }
0x2b6: {  	[tilespmem:s19], [sflag:$0x2] =	stream.indirect_vreg.gather [hbm4b:s1+s3], $0x80, v3, vm0, $0xb8;
	[tilespmem:$0x18400] =	vst v63  }
0x2b7: {  	v3 =	vld [tilespmem:$0x3C0];
	_ =	sdelay $0x4  }
0x2b8: {  	v60 =	vshll.u32 v3, $0x1  }
0x2b9: {  	v3 =	vand.u32 $0x7, v3;
	v4 =	vand.u32 $0xFFFFFFF0, v60  }
0x2ba: {  	v3 =	vor.u32 v3, v4  }
0x2bb: {  	v4 =	vperm.xlane v3, v0;
	_ =	sdelay $0x1  }
0x2bc: {  	v3 =	vperm.xlane v3, v2;
	v4 =	vadd.s32 v1, v4;
	_ =	sdelay $0x1  }
0x2bd: {  	v3 =	vadd.s32 v1, v3;
	_ =	sdelay $0x1  }
0x2be: {  	s19 =	simm.s32 $0xC400  }
0x2bf: {  	[tilespmem:s19], [sflag:$0x2] =	stream.indirect_vreg.gather [hbm4b:s1+s3], $0x80, v4, vm0, $0xb8;
	[tilespmem:$0x18400] =	vst v63  }
0x2c0: {  	s19 =	simm.s32 $0xCC00  }
0x2c1: {  	[tilespmem:s19], [sflag:$0x2] =	stream.indirect_vreg.gather [hbm4b:s1+s3], $0x80, v3, vm0, $0xb8;
	[tilespmem:$0x18400] =	vst v63  }
0x2c2: {  	v3 =	vld [tilespmem:$0x3D0];
	_ =	sdelay $0x4  }
0x2c3: {  	v61 =	vshll.u32 v3, $0x1  }
0x2c4: {  	v3 =	vand.u32 $0x7, v3;
	v4 =	vand.u32 $0xFFFFFFF0, v61  }
0x2c5: {  	v3 =	vor.u32 v3, v4  }
0x2c6: {  	v4 =	vperm.xlane v3, v0;
	_ =	sdelay $0x1  }
0x2c7: {  	v3 =	vperm.xlane v3, v2;
	v4 =	vadd.s32 v1, v4;
	_ =	sdelay $0x1  }
0x2c8: {  	v3 =	vadd.s32 v1, v3;
	_ =	sdelay $0x1  }
0x2c9: {  	s19 =	simm.s32 $0xD400  }
0x2ca: {  	[tilespmem:s19], [sflag:$0x2] =	stream.indirect_vreg.gather [hbm4b:s1+s3], $0x80, v4, vm0, $0xb8;
	[tilespmem:$0x18400] =	vst v63  }
0x2cb: {  	s19 =	simm.s32 $0xDC00  }
0x2cc: {  	[tilespmem:s19], [sflag:$0x2] =	stream.indirect_vreg.gather [hbm4b:s1+s3], $0x80, v3, vm0, $0xb8;
	[tilespmem:$0x18400] =	vst v63  }
0x2cd: {  	v3 =	vld [tilespmem:$0x3E0];
	_ =	sdelay $0x4  }
0x2ce: {  	v62 =	vshll.u32 v3, $0x1  }
0x2cf: {  	v3 =	vand.u32 $0x7, v3;
	v4 =	vand.u32 $0xFFFFFFF0, v62  }
0x2d0: {  	v3 =	vor.u32 v3, v4  }
0x2d1: {  	v4 =	vperm.xlane v3, v0;
	_ =	sdelay $0x1  }
0x2d2: {  	v3 =	vperm.xlane v3, v2;
	v4 =	vadd.s32 v1, v4;
	_ =	sdelay $0x1  }
0x2d3: {  	v3 =	vadd.s32 v1, v3;
	_ =	sdelay $0x1  }
0x2d4: {  	s19 =	simm.s32 $0xE400  }
0x2d5: {  	[tilespmem:s19], [sflag:$0x2] =	stream.indirect_vreg.gather [hbm4b:s1+s3], $0x80, v4, vm0, $0xb8;
	[tilespmem:$0x18400] =	vst v63  }
0x2d6: {  	s19 =	simm.s32 $0xEC00  }
0x2d7: {  	[tilespmem:s19], [sflag:$0x2] =	stream.indirect_vreg.gather [hbm4b:s1+s3], $0x80, v3, vm0, $0xb8;
	[tilespmem:$0x18400] =	vst v63  }
0x2d8: {  	v3 =	vld [tilespmem:$0x3F0];
	_ =	sdelay $0x4  }
0x2d9: {  	v63 =	vshll.u32 v3, $0x1  }
0x2da: {  	v3 =	vand.u32 $0x7, v3;
	v4 =	vand.u32 $0xFFFFFFF0, v63  }
0x2db: {  	v3 =	vor.u32 v3, v4  }
0x2dc: {  	v4 =	vperm.xlane v3, v0;
	_ =	sdelay $0x1  }
0x2dd: {  	v3 =	vperm.xlane v3, v2;
	v4 =	vadd.s32 v1, v4;
	_ =	sdelay $0x1  }
0x2de: {  	v3 =	vadd.s32 v1, v3;
	_ =	sdelay $0x1  }
0x2df: {  	s19 =	simm.s32 $0xF400  }
0x2e0: {  	[tilespmem:s19], [sflag:$0x2] =	stream.indirect_vreg.gather [hbm4b:s1+s3], $0x80, v4, vm0, $0xb8;
	[tilespmem:$0x18400] =	vst v63  }
0x2e1: {  	s19 =	simm.s32 $0xFC00  }
0x2e2: {  	[tilespmem:s19], [sflag:$0x2] =	stream.indirect_vreg.gather [hbm4b:s1+s3], $0x80, v3, vm0, $0xb8;
	[tilespmem:$0x18400] =	vst v63  }
0x2e3: {  	_ =	swait.ge [sflag:s17], $0x8000  }
0x2e4: {  	[sflag:s17] =	ssyncset.done $0x0  }
0x2e5: {  	s2 =	rddreg [dreg:$0x9];
	[sflag:s17] =	ssyncadd.s32 $0xFFFF8000  }
0x2e6: {  	[hbm4b:s2+s3] =	stream.linear.scatter [tilespmem:s0], [sflag:$0x6], $0x8000, $0x38;
	[tilespmem:$0x18400] =	vst v63  }
0x2e7: {  	_ =	swait.ge [sflag:s13], $0x8000  }
0x2e8: {  	[sflag:s13] =	ssyncset.done $0x0  }
0x2e9: {  	s0 =	rddreg [dreg:$0xa];
	[sflag:s13] =	ssyncadd.s32 $0xFFFF8000  }
0x2ea: {  	[hbm4b:s0+s3] =	stream.linear.scatter [tilespmem:s28], [sflag:$0x4], $0x8000, $0x38;
	[tilespmem:$0x18400] =	vst v63  }
0x2eb: {  	_ =	swait.ge [sflag:s15], $0x8000  }
0x2ec: {  	[sflag:s15] =	ssyncset.done $0x0  }
0x2ed: {  	s2 =	rddreg [dreg:$0xb];
	[sflag:s15] =	ssyncadd.s32 $0xFFFF8000  }
0x2ee: {  	[hbm4b:s2+s3] =	stream.linear.scatter [tilespmem:s23], [sflag:$0x5], $0x8000, $0x38;
	[tilespmem:$0x18400] =	vst v63  }
0x2ef: {  	_ =	swait.ge [sflag:s18], $0x8000  }
0x2f0: {  	[sflag:s18] =	ssyncset.done $0x0  }
0x2f1: {  	[sflag:s18] =	ssyncadd.s32 $0xFFFF8000  }
0x2f2: {  	p0 =	sne.s32 s5, $0x1;
	_ =	swait.ge [sflag:s14], $0x8000  }
.Ltmp0:
0x2f3: {  	[sflag:s14] =	ssyncset.done $0x0;
	(pc) =	sbr.rel @p0 .LBB2_1-.Ltmp0, $4  }
0x2f4: {  	[sflag:s14] =	ssyncadd.s32 $0xFFFF8000  }
0x2f5: {  	_ =	swait.ge [sflag:s16], $0x8000  }
0x2f6: {  	[sflag:s16] =	ssyncset.done $0x0  }
0x2f7: {  	s5 =	sadd.s32 $0xFFFFFFFF, s5;
	[sflag:s16] =	ssyncadd.s32 $0xFFFF8000  }
0x2f8: {  	_ =	sfence.sel $0x180000  }
0x2f9: {  	[bflag:$0x0] =	sbarrier.arrive $0xFFFF  }
0x2fa: {  	_ =	strace $0x90000047  }
0x2fb: {  	s0 =	stileid.u32;
	[bflag:$0x2] =	sbarrier.arrive $0xFFFF  }
0x2fc: {  	p0 =	sne.s32 s0, $0x0;
	s0 =	rddreg [dreg:$0x3]  }
0x2fd: {  	s0 =	sadd.s32 @!p0 $0x100000, s0  }
0x2fe: {  	[sflag:s0] =	ssyncadd.tile.s32 @!p0 $0x1;
	_ =	shalt  }
.Lfunc_end2:
_tile_overlayer_lowered:
.L_overlay_start_2:
0x2ff: {  	(tag) =	ssettag $0x2  }
0x300: {  	s0 =	rddreg [dreg:$0x0];
	s2 =	stileid.u32  }
0x301: {  	s1 =	rddreg [dreg:$0x1];
	p0 =	sne.s32 s2, $0x0  }
0x302: {  	s3 =	rddreg [dreg:$0x2];
	[bflag:$0x3] =	sbarrier.arrive $0xFFFF;
	s2 =	simm.s32 @!p0 $0x1C07  }
0x303: {  	[timem:s3], [sflag:s2] =	dma.local @!p0 [hbm:s0], s1  }
0x304: {  	s0 =	simm.s32 @!p0 $0x7  }
0x305: {  	_ =	swait.ge @!p0 [sflag:s0], s1  }
0x306: {  	s1 =	ssub.s32 @!p0 $0x0, s1;
	[sflag:s0] =	ssyncset.done @!p0 $0x0  }
0x307: {  	[sflag:s0] =	ssyncadd.s32 @!p0 s1  }
0x308: {  	[bflag:$0x3] =	sbarrier.arrive $0xFFFF  }
0x309: {  	_ =	shalt  }

</sc_bundles>
